<compile_context>
chip_gen: v7x
topology: tpu7x:2x2x1
jax: 0.10.2.dev20260603
libtpu: 0.0.44.dev20260713+nightly
codegen_flags: <defaults>
</compile_context>

<pallas_src>
import functools
import jax
import jax.numpy as jnp
from jax import lax
from jax.experimental import pallas as pl
from jax.experimental.pallas import tpu as pltpu
from jax.experimental.pallas import tpu_sc as plsc


def kernel(x, emb):
    b, s, d = x.shape
    NC, NS = 2, 16
    NW = NC * NS
    rows_per_w = s // NW

    CH = 120
    sizes = []
    rem = rows_per_w
    while rem > 0:
        c = min(rem, CH)
        sizes.append(c)
        rem -= c
    sizes = sizes[::-1]
    offs = [sum(sizes[:i]) for i in range(len(sizes))]
    n_chunks = len(sizes)

    mesh = plsc.VectorSubcoreMesh(core_axis_name="c", subcore_axis_name="s")

    @functools.partial(
        pl.kernel,
        mesh=mesh,
        out_type=jax.ShapeDtypeStruct((b, s, d), jnp.float32),
        scratch_types=[
            pltpu.VMEM((CH, d), jnp.float32),
            pltpu.SemaphoreType.DMA,
            pltpu.SemaphoreType.DMA,
        ],
    )
    def sc_copy(emb_hbm, out_hbm, buf, rsem, wsem):
        wid = lax.axis_index("s") * NC + lax.axis_index("c")
        base = wid * rows_per_w

        for i in range(n_chunks):
            r = pltpu.make_async_copy(
                emb_hbm.at[pl.ds(base + offs[i], sizes[i])],
                buf.at[pl.ds(0, sizes[i])], rsem)
            r.start()
            r.wait()
            ws = [
                pltpu.make_async_copy(
                    buf.at[pl.ds(0, sizes[i])],
                    out_hbm.at[bi].at[pl.ds(base + offs[i], sizes[i])],
                    wsem)
                for bi in range(b)
            ]
            for w in ws:
                w.start()
            for w in ws:
                w.wait()

    return sc_copy(emb)

# --- scband reference (transcript-rebuilt; emitter-appended) ---
"""Pipeline reference for scband-absolute-positional-embedding-22771916603618 (READ-ONLY COPY).

The authoritative reference and input builder live on the scoring server;
editing this copy changes nothing except your own understanding.
"""

import jax, jax.numpy as jnp
import numpy as np


def setup_inputs(seed: int = 0) -> dict:
    key = jax.random.key(seed)
    k1, k2 = jax.random.split(key)
    x = jax.random.normal(k1, (4, 8192, 1024), dtype=jnp.float32)
    # nn.Embedding(max_seq_len=16384, dim=1024), re-initialized uniform(-1/4, 1/4)
    emb = jax.random.uniform(k2, (16384, 1024), dtype=jnp.float32, minval=-0.25, maxval=0.25)
    return {"x": x, "emb": emb}


def _forward(x, emb):
    b = x.shape[0]
    s = x.shape[1]
    max_seq_len = emb.shape[0]
    d = emb.shape[1]
    if s < max_seq_len:
        n = jnp.arange(s)
        e = jnp.take(emb, n, axis=0)  # [s, d] embedding gather
        return jnp.broadcast_to(e[None, :, :], (b, s, d))  # repeat 'n d -> b n d'
    else:
        multiplier = 1.0 / (2.0 ** 0.5)
        parts = []
        i = 0
        for i in range(0, s, max_seq_len):
            idx = jnp.arange(i, max_seq_len + i)
            e = jnp.take(emb, idx, axis=0, mode='clip')
            parts.append(jnp.broadcast_to(e[None, :, :], (b, max_seq_len, d)) * multiplier)
            multiplier *= 2.0 ** 0.5
        idx = jnp.arange(i + max_seq_len, s - 1)
        e = jnp.take(emb, idx, axis=0, mode='clip')
        parts.append(jnp.broadcast_to(e[None, :, :], (b, idx.shape[0], d)) * multiplier)
        return jnp.concatenate(parts, axis=1)


def reference(x, emb):
    return _forward(x, emb)

if __name__ == "__main__":
    import jax
    _d = setup_inputs()
    print(jax.jit(kernel)(*tuple(_d.values())))

</pallas_src>

<mosaic_0001>
#map = affine_map<(d0, d1) -> (0, 0)>
#map1 = affine_map<(d0, d1) -> (0, 0, 0)>
module attributes {stable_mosaic.version = 14 : i64} {
  func.func @sc_copy(%arg0: i32, %arg1: i32, %arg2: memref<16384x1024xf32, #tpu.memory_space<hbm>>, %arg3: memref<4x8192x1024xf32, #tpu.memory_space<hbm>>, %arg4: memref<120x1024xf32, #tpu.memory_space<vmem>>, %arg5: memref<!tpu.dma_semaphore, #tpu.memory_space<semaphore_mem>>, %arg6: memref<!tpu.dma_semaphore, #tpu.memory_space<semaphore_mem>>) attributes {dimension_semantics = [#tpu.dimension_semantics<core_parallel>, #tpu.dimension_semantics<subcore_parallel>], iteration_bounds = array<i64: 2, 16>, scalar_prefetch = 0 : i64, scratch_operands = 3 : i64, tpu.core_type = #tpu.core_type<sc_vector_subcore>, window_params = [{transform_indices = #map}, {transform_indices = #map1}]} {
    %mul3A = arith.constant 2 : i32
    %mul3A_0 = arith.muli %arg1, %mul3A : i32
    %add3A = arith.addi %mul3A_0, %arg0 : i32
    %mul3A_1 = arith.constant 256 : i32
    %mul3A_2 = arith.muli %add3A, %mul3A_1 : i32
    %add3A_3 = arith.constant 0 : i32
    %add3A_4 = arith.addi %mul3A_2, %add3A_3 : i32
    %dma_start3A = arith.constant 0 : i32
    %dma_start3A_5 = arith.constant 0 : i32
    %dma_start3A_6 = tpu.memref_slice %arg4[%dma_start3A, %dma_start3A_5] : memref<120x1024xf32, #tpu.memory_space<vmem>> -> memref<16x1024xf32, #tpu.memory_space<vmem>>
    %dma_start3A_7 = arith.constant 0 : i32
    %dma_start3A_8 = tpu.memref_slice %arg2[%add3A_4, %dma_start3A_7] : memref<16384x1024xf32, #tpu.memory_space<hbm>> -> memref<16x1024xf32, #tpu.memory_space<hbm>>
    %dma_start3A_9 = arith.constant 0 : i32
    %dma_start3A_10 = arith.constant 0 : i32
    %dma_start3A_11 = tpu.memref_slice %arg4[%dma_start3A_9, %dma_start3A_10] : memref<120x1024xf32, #tpu.memory_space<vmem>> -> memref<16x1024xf32, #tpu.memory_space<vmem>>
    %dma_start3A_12 = arith.constant 0 : i32
    %dma_start3A_13 = tpu.memref_slice %arg2[%add3A_4, %dma_start3A_12] : memref<16384x1024xf32, #tpu.memory_space<hbm>> -> memref<16x1024xf32, #tpu.memory_space<hbm>>
    tpu.enqueue_dma source(%dma_start3A_13 : memref<16x1024xf32, #tpu.memory_space<hbm>>) target(%dma_start3A_11 : memref<16x1024xf32, #tpu.memory_space<vmem>>) target_semaphore(%arg5 : memref<!tpu.dma_semaphore, #tpu.memory_space<semaphore_mem>>)
    %dma_wait3A = arith.constant 0 : i32
    %dma_wait3A_14 = arith.constant 0 : i32
    %dma_wait3A_15 = tpu.memref_slice %arg4[%dma_wait3A, %dma_wait3A_14] : memref<120x1024xf32, #tpu.memory_space<vmem>> -> memref<16x1024xf32, #tpu.memory_space<vmem>>
    %dma_wait3A_16 = arith.constant 0 : i32
    %dma_wait3A_17 = tpu.memref_slice %arg2[%add3A_4, %dma_wait3A_16] : memref<16384x1024xf32, #tpu.memory_space<hbm>> -> memref<16x1024xf32, #tpu.memory_space<hbm>>
    %dma_wait3A_18 = arith.constant 0 : i32
    %dma_wait3A_19 = arith.constant 0 : i32
    %dma_wait3A_20 = tpu.memref_slice %arg4[%dma_wait3A_18, %dma_wait3A_19] : memref<120x1024xf32, #tpu.memory_space<vmem>> -> memref<16x1024xf32, #tpu.memory_space<vmem>>
    %dma_wait3A_21 = arith.constant 0 : i32
    %dma_wait3A_22 = tpu.memref_slice %arg2[%add3A_4, %dma_wait3A_21] : memref<16384x1024xf32, #tpu.memory_space<hbm>> -> memref<16x1024xf32, #tpu.memory_space<hbm>>
    tpu.wait_dma2 semaphore(%arg5 : memref<!tpu.dma_semaphore, #tpu.memory_space<semaphore_mem>>) src(%dma_wait3A_22 : memref<16x1024xf32, #tpu.memory_space<hbm>>) dst(%dma_wait3A_20 : memref<16x1024xf32, #tpu.memory_space<vmem>>)
    %add3A_23 = arith.constant 0 : i32
    %add3A_24 = arith.addi %mul3A_2, %add3A_23 : i32
    %add3A_25 = arith.constant 0 : i32
    %add3A_26 = arith.addi %mul3A_2, %add3A_25 : i32
    %add3A_27 = arith.constant 0 : i32
    %add3A_28 = arith.addi %mul3A_2, %add3A_27 : i32
    %add3A_29 = arith.constant 0 : i32
    %add3A_30 = arith.addi %mul3A_2, %add3A_29 : i32
    %dma_start3A_31 = arith.constant 0 : i32
    %dma_start3A_32 = arith.constant 0 : i32
    %dma_start3A_33 = arith.constant 0 : i32
    %dma_start3A_34 = tpu.memref_slice %arg4[%dma_start3A_32, %dma_start3A_33] : memref<120x1024xf32, #tpu.memory_space<vmem>> -> memref<16x1024xf32, #tpu.memory_space<vmem>>
    %dma_start3A_35 = arith.constant 0 : i32
    %dma_start3A_36 = arith.constant 0 : i32
    %dma_start3A_37 = tpu.memref_slice %arg3[%dma_start3A_31, %dma_start3A_35, %dma_start3A_36] : memref<4x8192x1024xf32, #tpu.memory_space<hbm>> -> memref<1x8192x1024xf32, #tpu.memory_space<hbm>>
    %dma_start3A_38 = tpu.memref_squeeze %dma_start3A_37 : memref<1x8192x1024xf32, #tpu.memory_space<hbm>> -> memref<8192x1024xf32, #tpu.memory_space<hbm>>
    %dma_start3A_39 = arith.constant 0 : i32
    %dma_start3A_40 = tpu.memref_slice %dma_start3A_38[%add3A_24, %dma_start3A_39] : memref<8192x1024xf32, #tpu.memory_space<hbm>> -> memref<16x1024xf32, #tpu.memory_space<hbm>>
    %dma_start3A_41 = arith.constant 0 : i32
    %dma_start3A_42 = arith.constant 0 : i32
    %dma_start3A_43 = tpu.memref_slice %arg3[%dma_start3A_31, %dma_start3A_41, %dma_start3A_42] : memref<4x8192x1024xf32, #tpu.memory_space<hbm>> -> memref<1x8192x1024xf32, #tpu.memory_space<hbm>>
    %dma_start3A_44 = tpu.memref_squeeze %dma_start3A_43 : memref<1x8192x1024xf32, #tpu.memory_space<hbm>> -> memref<8192x1024xf32, #tpu.memory_space<hbm>>
    %dma_start3A_45 = arith.constant 0 : i32
    %dma_start3A_46 = tpu.memref_slice %dma_start3A_44[%add3A_24, %dma_start3A_45] : memref<8192x1024xf32, #tpu.memory_space<hbm>> -> memref<16x1024xf32, #tpu.memory_space<hbm>>
    %dma_start3A_47 = arith.constant 0 : i32
    %dma_start3A_48 = arith.constant 0 : i32
    %dma_start3A_49 = tpu.memref_slice %arg4[%dma_start3A_47, %dma_start3A_48] : memref<120x1024xf32, #tpu.memory_space<vmem>> -> memref<16x1024xf32, #tpu.memory_space<vmem>>
    tpu.enqueue_dma source(%dma_start3A_49 : memref<16x1024xf32, #tpu.memory_space<vmem>>) target(%dma_start3A_46 : memref<16x1024xf32, #tpu.memory_space<hbm>>) target_semaphore(%arg6 : memref<!tpu.dma_semaphore, #tpu.memory_space<semaphore_mem>>)
    %dma_start3A_50 = arith.constant 1 : i32
    %dma_start3A_51 = arith.constant 0 : i32
    %dma_start3A_52 = arith.constant 0 : i32
    %dma_start3A_53 = tpu.memref_slice %arg4[%dma_start3A_51, %dma_start3A_52] : memref<120x1024xf32, #tpu.memory_space<vmem>> -> memref<16x1024xf32, #tpu.memory_space<vmem>>
    %dma_start3A_54 = arith.constant 0 : i32
    %dma_start3A_55 = arith.constant 0 : i32
    %dma_start3A_56 = tpu.memref_slice %arg3[%dma_start3A_50, %dma_start3A_54, %dma_start3A_55] : memref<4x8192x1024xf32, #tpu.memory_space<hbm>> -> memref<1x8192x1024xf32, #tpu.memory_space<hbm>>
    %dma_start3A_57 = tpu.memref_squeeze %dma_start3A_56 : memref<1x8192x1024xf32, #tpu.memory_space<hbm>> -> memref<8192x1024xf32, #tpu.memory_space<hbm>>
    %dma_start3A_58 = arith.constant 0 : i32
    %dma_start3A_59 = tpu.memref_slice %dma_start3A_57[%add3A_26, %dma_start3A_58] : memref<8192x1024xf32, #tpu.memory_space<hbm>> -> memref<16x1024xf32, #tpu.memory_space<hbm>>
    %dma_start3A_60 = arith.constant 0 : i32
    %dma_start3A_61 = arith.constant 0 : i32
    %dma_start3A_62 = tpu.memref_slice %arg3[%dma_start3A_50, %dma_start3A_60, %dma_start3A_61] : memref<4x8192x1024xf32, #tpu.memory_space<hbm>> -> memref<1x8192x1024xf32, #tpu.memory_space<hbm>>
    %dma_start3A_63 = tpu.memref_squeeze %dma_start3A_62 : memref<1x8192x1024xf32, #tpu.memory_space<hbm>> -> memref<8192x1024xf32, #tpu.memory_space<hbm>>
    %dma_start3A_64 = arith.constant 0 : i32
    %dma_start3A_65 = tpu.memref_slice %dma_start3A_63[%add3A_26, %dma_start3A_64] : memref<8192x1024xf32, #tpu.memory_space<hbm>> -> memref<16x1024xf32, #tpu.memory_space<hbm>>
    %dma_start3A_66 = arith.constant 0 : i32
    %dma_start3A_67 = arith.constant 0 : i32
    %dma_start3A_68 = tpu.memref_slice %arg4[%dma_start3A_66, %dma_start3A_67] : memref<120x1024xf32, #tpu.memory_space<vmem>> -> memref<16x1024xf32, #tpu.memory_space<vmem>>
    tpu.enqueue_dma source(%dma_start3A_68 : memref<16x1024xf32, #tpu.memory_space<vmem>>) target(%dma_start3A_65 : memref<16x1024xf32, #tpu.memory_space<hbm>>) target_semaphore(%arg6 : memref<!tpu.dma_semaphore, #tpu.memory_space<semaphore_mem>>)
    %dma_start3A_69 = arith.constant 2 : i32
    %dma_start3A_70 = arith.constant 0 : i32
    %dma_start3A_71 = arith.constant 0 : i32
    %dma_start3A_72 = tpu.memref_slice %arg4[%dma_start3A_70, %dma_start3A_71] : memref<120x1024xf32, #tpu.memory_space<vmem>> -> memref<16x1024xf32, #tpu.memory_space<vmem>>
    %dma_start3A_73 = arith.constant 0 : i32
    %dma_start3A_74 = arith.constant 0 : i32
    %dma_start3A_75 = tpu.memref_slice %arg3[%dma_start3A_69, %dma_start3A_73, %dma_start3A_74] : memref<4x8192x1024xf32, #tpu.memory_space<hbm>> -> memref<1x8192x1024xf32, #tpu.memory_space<hbm>>
    %dma_start3A_76 = tpu.memref_squeeze %dma_start3A_75 : memref<1x8192x1024xf32, #tpu.memory_space<hbm>> -> memref<8192x1024xf32, #tpu.memory_space<hbm>>
    %dma_start3A_77 = arith.constant 0 : i32
    %dma_start3A_78 = tpu.memref_slice %dma_start3A_76[%add3A_28, %dma_start3A_77] : memref<8192x1024xf32, #tpu.memory_space<hbm>> -> memref<16x1024xf32, #tpu.memory_space<hbm>>
    %dma_start3A_79 = arith.constant 0 : i32
    %dma_start3A_80 = arith.constant 0 : i32
    %dma_start3A_81 = tpu.memref_slice %arg3[%dma_start3A_69, %dma_start3A_79, %dma_start3A_80] : memref<4x8192x1024xf32, #tpu.memory_space<hbm>> -> memref<1x8192x1024xf32, #tpu.memory_space<hbm>>
    %dma_start3A_82 = tpu.memref_squeeze %dma_start3A_81 : memref<1x8192x1024xf32, #tpu.memory_space<hbm>> -> memref<8192x1024xf32, #tpu.memory_space<hbm>>
    %dma_start3A_83 = arith.constant 0 : i32
    %dma_start3A_84 = tpu.memref_slice %dma_start3A_82[%add3A_28, %dma_start3A_83] : memref<8192x1024xf32, #tpu.memory_space<hbm>> -> memref<16x1024xf32, #tpu.memory_space<hbm>>
    %dma_start3A_85 = arith.constant 0 : i32
    %dma_start3A_86 = arith.constant 0 : i32
    %dma_start3A_87 = tpu.memref_slice %arg4[%dma_start3A_85, %dma_start3A_86] : memref<120x1024xf32, #tpu.memory_space<vmem>> -> memref<16x1024xf32, #tpu.memory_space<vmem>>
    tpu.enqueue_dma source(%dma_start3A_87 : memref<16x1024xf32, #tpu.memory_space<vmem>>) target(%dma_start3A_84 : memref<16x1024xf32, #tpu.memory_space<hbm>>) target_semaphore(%arg6 : memref<!tpu.dma_semaphore, #tpu.memory_space<semaphore_mem>>)
    %dma_start3A_88 = arith.constant 3 : i32
    %dma_start3A_89 = arith.constant 0 : i32
    %dma_start3A_90 = arith.constant 0 : i32
    %dma_start3A_91 = tpu.memref_slice %arg4[%dma_start3A_89, %dma_start3A_90] : memref<120x1024xf32, #tpu.memory_space<vmem>> -> memref<16x1024xf32, #tpu.memory_space<vmem>>
    %dma_start3A_92 = arith.constant 0 : i32
    %dma_start3A_93 = arith.constant 0 : i32
    %dma_start3A_94 = tpu.memref_slice %arg3[%dma_start3A_88, %dma_start3A_92, %dma_start3A_93] : memref<4x8192x1024xf32, #tpu.memory_space<hbm>> -> memref<1x8192x1024xf32, #tpu.memory_space<hbm>>
    %dma_start3A_95 = tpu.memref_squeeze %dma_start3A_94 : memref<1x8192x1024xf32, #tpu.memory_space<hbm>> -> memref<8192x1024xf32, #tpu.memory_space<hbm>>
    %dma_start3A_96 = arith.constant 0 : i32
    %dma_start3A_97 = tpu.memref_slice %dma_start3A_95[%add3A_30, %dma_start3A_96] : memref<8192x1024xf32, #tpu.memory_space<hbm>> -> memref<16x1024xf32, #tpu.memory_space<hbm>>
    %dma_start3A_98 = arith.constant 0 : i32
    %dma_start3A_99 = arith.constant 0 : i32
    %dma_start3A_100 = tpu.memref_slice %arg3[%dma_start3A_88, %dma_start3A_98, %dma_start3A_99] : memref<4x8192x1024xf32, #tpu.memory_space<hbm>> -> memref<1x8192x1024xf32, #tpu.memory_space<hbm>>
    %dma_start3A_101 = tpu.memref_squeeze %dma_start3A_100 : memref<1x8192x1024xf32, #tpu.memory_space<hbm>> -> memref<8192x1024xf32, #tpu.memory_space<hbm>>
    %dma_start3A_102 = arith.constant 0 : i32
    %dma_start3A_103 = tpu.memref_slice %dma_start3A_101[%add3A_30, %dma_start3A_102] : memref<8192x1024xf32, #tpu.memory_space<hbm>> -> memref<16x1024xf32, #tpu.memory_space<hbm>>
    %dma_start3A_104 = arith.constant 0 : i32
    %dma_start3A_105 = arith.constant 0 : i32
    %dma_start3A_106 = tpu.memref_slice %arg4[%dma_start3A_104, %dma_start3A_105] : memref<120x1024xf32, #tpu.memory_space<vmem>> -> memref<16x1024xf32, #tpu.memory_space<vmem>>
    tpu.enqueue_dma source(%dma_start3A_106 : memref<16x1024xf32, #tpu.memory_space<vmem>>) target(%dma_start3A_103 : memref<16x1024xf32, #tpu.memory_space<hbm>>) target_semaphore(%arg6 : memref<!tpu.dma_semaphore, #tpu.memory_space<semaphore_mem>>)
    %dma_wait3A_107 = arith.constant 0 : i32
    %dma_wait3A_108 = arith.constant 0 : i32
    %dma_wait3A_109 = arith.constant 0 : i32
    %dma_wait3A_110 = tpu.memref_slice %arg4[%dma_wait3A_108, %dma_wait3A_109] : memref<120x1024xf32, #tpu.memory_space<vmem>> -> memref<16x1024xf32, #tpu.memory_space<vmem>>
    %dma_wait3A_111 = arith.constant 0 : i32
    %dma_wait3A_112 = arith.constant 0 : i32
    %dma_wait3A_113 = tpu.memref_slice %arg3[%dma_wait3A_107, %dma_wait3A_111, %dma_wait3A_112] : memref<4x8192x1024xf32, #tpu.memory_space<hbm>> -> memref<1x8192x1024xf32, #tpu.memory_space<hbm>>
    %dma_wait3A_114 = tpu.memref_squeeze %dma_wait3A_113 : memref<1x8192x1024xf32, #tpu.memory_space<hbm>> -> memref<8192x1024xf32, #tpu.memory_space<hbm>>
    %dma_wait3A_115 = arith.constant 0 : i32
    %dma_wait3A_116 = tpu.memref_slice %dma_wait3A_114[%add3A_24, %dma_wait3A_115] : memref<8192x1024xf32, #tpu.memory_space<hbm>> -> memref<16x1024xf32, #tpu.memory_space<hbm>>
    %dma_wait3A_117 = arith.constant 0 : i32
    %dma_wait3A_118 = arith.constant 0 : i32
    %dma_wait3A_119 = tpu.memref_slice %arg3[%dma_wait3A_107, %dma_wait3A_117, %dma_wait3A_118] : memref<4x8192x1024xf32, #tpu.memory_space<hbm>> -> memref<1x8192x1024xf32, #tpu.memory_space<hbm>>
    %dma_wait3A_120 = tpu.memref_squeeze %dma_wait3A_119 : memref<1x8192x1024xf32, #tpu.memory_space<hbm>> -> memref<8192x1024xf32, #tpu.memory_space<hbm>>
    %dma_wait3A_121 = arith.constant 0 : i32
    %dma_wait3A_122 = tpu.memref_slice %dma_wait3A_120[%add3A_24, %dma_wait3A_121] : memref<8192x1024xf32, #tpu.memory_space<hbm>> -> memref<16x1024xf32, #tpu.memory_space<hbm>>
    %dma_wait3A_123 = arith.constant 0 : i32
    %dma_wait3A_124 = arith.constant 0 : i32
    %dma_wait3A_125 = tpu.memref_slice %arg4[%dma_wait3A_123, %dma_wait3A_124] : memref<120x1024xf32, #tpu.memory_space<vmem>> -> memref<16x1024xf32, #tpu.memory_space<vmem>>
    tpu.wait_dma2 semaphore(%arg6 : memref<!tpu.dma_semaphore, #tpu.memory_space<semaphore_mem>>) src(%dma_wait3A_125 : memref<16x1024xf32, #tpu.memory_space<vmem>>) dst(%dma_wait3A_122 : memref<16x1024xf32, #tpu.memory_space<hbm>>)
    %dma_wait3A_126 = arith.constant 1 : i32
    %dma_wait3A_127 = arith.constant 0 : i32
    %dma_wait3A_128 = arith.constant 0 : i32
    %dma_wait3A_129 = tpu.memref_slice %arg4[%dma_wait3A_127, %dma_wait3A_128] : memref<120x1024xf32, #tpu.memory_space<vmem>> -> memref<16x1024xf32, #tpu.memory_space<vmem>>
    %dma_wait3A_130 = arith.constant 0 : i32
    %dma_wait3A_131 = arith.constant 0 : i32
    %dma_wait3A_132 = tpu.memref_slice %arg3[%dma_wait3A_126, %dma_wait3A_130, %dma_wait3A_131] : memref<4x8192x1024xf32, #tpu.memory_space<hbm>> -> memref<1x8192x1024xf32, #tpu.memory_space<hbm>>
    %dma_wait3A_133 = tpu.memref_squeeze %dma_wait3A_132 : memref<1x8192x1024xf32, #tpu.memory_space<hbm>> -> memref<8192x1024xf32, #tpu.memory_space<hbm>>
    %dma_wait3A_134 = arith.constant 0 : i32
    %dma_wait3A_135 = tpu.memref_slice %dma_wait3A_133[%add3A_26, %dma_wait3A_134] : memref<8192x1024xf32, #tpu.memory_space<hbm>> -> memref<16x1024xf32, #tpu.memory_space<hbm>>
    %dma_wait3A_136 = arith.constant 0 : i32
    %dma_wait3A_137 = arith.constant 0 : i32
    %dma_wait3A_138 = tpu.memref_slice %arg3[%dma_wait3A_126, %dma_wait3A_136, %dma_wait3A_137] : memref<4x8192x1024xf32, #tpu.memory_space<hbm>> -> memref<1x8192x1024xf32, #tpu.memory_space<hbm>>
    %dma_wait3A_139 = tpu.memref_squeeze %dma_wait3A_138 : memref<1x8192x1024xf32, #tpu.memory_space<hbm>> -> memref<8192x1024xf32, #tpu.memory_space<hbm>>
    %dma_wait3A_140 = arith.constant 0 : i32
    %dma_wait3A_141 = tpu.memref_slice %dma_wait3A_139[%add3A_26, %dma_wait3A_140] : memref<8192x1024xf32, #tpu.memory_space<hbm>> -> memref<16x1024xf32, #tpu.memory_space<hbm>>
    %dma_wait3A_142 = arith.constant 0 : i32
    %dma_wait3A_143 = arith.constant 0 : i32
    %dma_wait3A_144 = tpu.memref_slice %arg4[%dma_wait3A_142, %dma_wait3A_143] : memref<120x1024xf32, #tpu.memory_space<vmem>> -> memref<16x1024xf32, #tpu.memory_space<vmem>>
    tpu.wait_dma2 semaphore(%arg6 : memref<!tpu.dma_semaphore, #tpu.memory_space<semaphore_mem>>) src(%dma_wait3A_144 : memref<16x1024xf32, #tpu.memory_space<vmem>>) dst(%dma_wait3A_141 : memref<16x1024xf32, #tpu.memory_space<hbm>>)
    %dma_wait3A_145 = arith.constant 2 : i32
    %dma_wait3A_146 = arith.constant 0 : i32
    %dma_wait3A_147 = arith.constant 0 : i32
    %dma_wait3A_148 = tpu.memref_slice %arg4[%dma_wait3A_146, %dma_wait3A_147] : memref<120x1024xf32, #tpu.memory_space<vmem>> -> memref<16x1024xf32, #tpu.memory_space<vmem>>
    %dma_wait3A_149 = arith.constant 0 : i32
    %dma_wait3A_150 = arith.constant 0 : i32
    %dma_wait3A_151 = tpu.memref_slice %arg3[%dma_wait3A_145, %dma_wait3A_149, %dma_wait3A_150] : memref<4x8192x1024xf32, #tpu.memory_space<hbm>> -> memref<1x8192x1024xf32, #tpu.memory_space<hbm>>
    %dma_wait3A_152 = tpu.memref_squeeze %dma_wait3A_151 : memref<1x8192x1024xf32, #tpu.memory_space<hbm>> -> memref<8192x1024xf32, #tpu.memory_space<hbm>>
    %dma_wait3A_153 = arith.constant 0 : i32
    %dma_wait3A_154 = tpu.memref_slice %dma_wait3A_152[%add3A_28, %dma_wait3A_153] : memref<8192x1024xf32, #tpu.memory_space<hbm>> -> memref<16x1024xf32, #tpu.memory_space<hbm>>
    %dma_wait3A_155 = arith.constant 0 : i32
    %dma_wait3A_156 = arith.constant 0 : i32
    %dma_wait3A_157 = tpu.memref_slice %arg3[%dma_wait3A_145, %dma_wait3A_155, %dma_wait3A_156] : memref<4x8192x1024xf32, #tpu.memory_space<hbm>> -> memref<1x8192x1024xf32, #tpu.memory_space<hbm>>
    %dma_wait3A_158 = tpu.memref_squeeze %dma_wait3A_157 : memref<1x8192x1024xf32, #tpu.memory_space<hbm>> -> memref<8192x1024xf32, #tpu.memory_space<hbm>>
    %dma_wait3A_159 = arith.constant 0 : i32
    %dma_wait3A_160 = tpu.memref_slice %dma_wait3A_158[%add3A_28, %dma_wait3A_159] : memref<8192x1024xf32, #tpu.memory_space<hbm>> -> memref<16x1024xf32, #tpu.memory_space<hbm>>
    %dma_wait3A_161 = arith.constant 0 : i32
    %dma_wait3A_162 = arith.constant 0 : i32
    %dma_wait3A_163 = tpu.memref_slice %arg4[%dma_wait3A_161, %dma_wait3A_162] : memref<120x1024xf32, #tpu.memory_space<vmem>> -> memref<16x1024xf32, #tpu.memory_space<vmem>>
    tpu.wait_dma2 semaphore(%arg6 : memref<!tpu.dma_semaphore, #tpu.memory_space<semaphore_mem>>) src(%dma_wait3A_163 : memref<16x1024xf32, #tpu.memory_space<vmem>>) dst(%dma_wait3A_160 : memref<16x1024xf32, #tpu.memory_space<hbm>>)
    %dma_wait3A_164 = arith.constant 3 : i32
    %dma_wait3A_165 = arith.constant 0 : i32
    %dma_wait3A_166 = arith.constant 0 : i32
    %dma_wait3A_167 = tpu.memref_slice %arg4[%dma_wait3A_165, %dma_wait3A_166] : memref<120x1024xf32, #tpu.memory_space<vmem>> -> memref<16x1024xf32, #tpu.memory_space<vmem>>
    %dma_wait3A_168 = arith.constant 0 : i32
    %dma_wait3A_169 = arith.constant 0 : i32
    %dma_wait3A_170 = tpu.memref_slice %arg3[%dma_wait3A_164, %dma_wait3A_168, %dma_wait3A_169] : memref<4x8192x1024xf32, #tpu.memory_space<hbm>> -> memref<1x8192x1024xf32, #tpu.memory_space<hbm>>
    %dma_wait3A_171 = tpu.memref_squeeze %dma_wait3A_170 : memref<1x8192x1024xf32, #tpu.memory_space<hbm>> -> memref<8192x1024xf32, #tpu.memory_space<hbm>>
    %dma_wait3A_172 = arith.constant 0 : i32
    %dma_wait3A_173 = tpu.memref_slice %dma_wait3A_171[%add3A_30, %dma_wait3A_172] : memref<8192x1024xf32, #tpu.memory_space<hbm>> -> memref<16x1024xf32, #tpu.memory_space<hbm>>
    %dma_wait3A_174 = arith.constant 0 : i32
    %dma_wait3A_175 = arith.constant 0 : i32
    %dma_wait3A_176 = tpu.memref_slice %arg3[%dma_wait3A_164, %dma_wait3A_174, %dma_wait3A_175] : memref<4x8192x1024xf32, #tpu.memory_space<hbm>> -> memref<1x8192x1024xf32, #tpu.memory_space<hbm>>
    %dma_wait3A_177 = tpu.memref_squeeze %dma_wait3A_176 : memref<1x8192x1024xf32, #tpu.memory_space<hbm>> -> memref<8192x1024xf32, #tpu.memory_space<hbm>>
    %dma_wait3A_178 = arith.constant 0 : i32
    %dma_wait3A_179 = tpu.memref_slice %dma_wait3A_177[%add3A_30, %dma_wait3A_178] : memref<8192x1024xf32, #tpu.memory_space<hbm>> -> memref<16x1024xf32, #tpu.memory_space<hbm>>
    %dma_wait3A_180 = arith.constant 0 : i32
    %dma_wait3A_181 = arith.constant 0 : i32
    %dma_wait3A_182 = tpu.memref_slice %arg4[%dma_wait3A_180, %dma_wait3A_181] : memref<120x1024xf32, #tpu.memory_space<vmem>> -> memref<16x1024xf32, #tpu.memory_space<vmem>>
    tpu.wait_dma2 semaphore(%arg6 : memref<!tpu.dma_semaphore, #tpu.memory_space<semaphore_mem>>) src(%dma_wait3A_182 : memref<16x1024xf32, #tpu.memory_space<vmem>>) dst(%dma_wait3A_179 : memref<16x1024xf32, #tpu.memory_space<hbm>>)
    %add3A_183 = arith.constant 16 : i32
    %add3A_184 = arith.addi %mul3A_2, %add3A_183 : i32
    %dma_start3A_185 = arith.constant 0 : i32
    %dma_start3A_186 = arith.constant 0 : i32
    %dma_start3A_187 = tpu.memref_slice %arg4[%dma_start3A_185, %dma_start3A_186] : memref<120x1024xf32, #tpu.memory_space<vmem>> -> memref<120x1024xf32, #tpu.memory_space<vmem>>
    %dma_start3A_188 = arith.constant 0 : i32
    %dma_start3A_189 = tpu.memref_slice %arg2[%add3A_184, %dma_start3A_188] : memref<16384x1024xf32, #tpu.memory_space<hbm>> -> memref<120x1024xf32, #tpu.memory_space<hbm>>
    %dma_start3A_190 = arith.constant 0 : i32
    %dma_start3A_191 = arith.constant 0 : i32
    %dma_start3A_192 = tpu.memref_slice %arg4[%dma_start3A_190, %dma_start3A_191] : memref<120x1024xf32, #tpu.memory_space<vmem>> -> memref<120x1024xf32, #tpu.memory_space<vmem>>
    %dma_start3A_193 = arith.constant 0 : i32
    %dma_start3A_194 = tpu.memref_slice %arg2[%add3A_184, %dma_start3A_193] : memref<16384x1024xf32, #tpu.memory_space<hbm>> -> memref<120x1024xf32, #tpu.memory_space<hbm>>
    tpu.enqueue_dma source(%dma_start3A_194 : memref<120x1024xf32, #tpu.memory_space<hbm>>) target(%dma_start3A_192 : memref<120x1024xf32, #tpu.memory_space<vmem>>) target_semaphore(%arg5 : memref<!tpu.dma_semaphore, #tpu.memory_space<semaphore_mem>>)
    %dma_wait3A_195 = arith.constant 0 : i32
    %dma_wait3A_196 = arith.constant 0 : i32
    %dma_wait3A_197 = tpu.memref_slice %arg4[%dma_wait3A_195, %dma_wait3A_196] : memref<120x1024xf32, #tpu.memory_space<vmem>> -> memref<120x1024xf32, #tpu.memory_space<vmem>>
    %dma_wait3A_198 = arith.constant 0 : i32
    %dma_wait3A_199 = tpu.memref_slice %arg2[%add3A_184, %dma_wait3A_198] : memref<16384x1024xf32, #tpu.memory_space<hbm>> -> memref<120x1024xf32, #tpu.memory_space<hbm>>
    %dma_wait3A_200 = arith.constant 0 : i32
    %dma_wait3A_201 = arith.constant 0 : i32
    %dma_wait3A_202 = tpu.memref_slice %arg4[%dma_wait3A_200, %dma_wait3A_201] : memref<120x1024xf32, #tpu.memory_space<vmem>> -> memref<120x1024xf32, #tpu.memory_space<vmem>>
    %dma_wait3A_203 = arith.constant 0 : i32
    %dma_wait3A_204 = tpu.memref_slice %arg2[%add3A_184, %dma_wait3A_203] : memref<16384x1024xf32, #tpu.memory_space<hbm>> -> memref<120x1024xf32, #tpu.memory_space<hbm>>
    tpu.wait_dma2 semaphore(%arg5 : memref<!tpu.dma_semaphore, #tpu.memory_space<semaphore_mem>>) src(%dma_wait3A_204 : memref<120x1024xf32, #tpu.memory_space<hbm>>) dst(%dma_wait3A_202 : memref<120x1024xf32, #tpu.memory_space<vmem>>)
    %add3A_205 = arith.constant 16 : i32
    %add3A_206 = arith.addi %mul3A_2, %add3A_205 : i32
    %add3A_207 = arith.constant 16 : i32
    %add3A_208 = arith.addi %mul3A_2, %add3A_207 : i32
    %add3A_209 = arith.constant 16 : i32
    %add3A_210 = arith.addi %mul3A_2, %add3A_209 : i32
    %add3A_211 = arith.constant 16 : i32
    %add3A_212 = arith.addi %mul3A_2, %add3A_211 : i32
    %dma_start3A_213 = arith.constant 0 : i32
    %dma_start3A_214 = arith.constant 0 : i32
    %dma_start3A_215 = arith.constant 0 : i32
    %dma_start3A_216 = tpu.memref_slice %arg4[%dma_start3A_214, %dma_start3A_215] : memref<120x1024xf32, #tpu.memory_space<vmem>> -> memref<120x1024xf32, #tpu.memory_space<vmem>>
    %dma_start3A_217 = arith.constant 0 : i32
    %dma_start3A_218 = arith.constant 0 : i32
    %dma_start3A_219 = tpu.memref_slice %arg3[%dma_start3A_213, %dma_start3A_217, %dma_start3A_218] : memref<4x8192x1024xf32, #tpu.memory_space<hbm>> -> memref<1x8192x1024xf32, #tpu.memory_space<hbm>>
    %dma_start3A_220 = tpu.memref_squeeze %dma_start3A_219 : memref<1x8192x1024xf32, #tpu.memory_space<hbm>> -> memref<8192x1024xf32, #tpu.memory_space<hbm>>
    %dma_start3A_221 = arith.constant 0 : i32
    %dma_start3A_222 = tpu.memref_slice %dma_start3A_220[%add3A_206, %dma_start3A_221] : memref<8192x1024xf32, #tpu.memory_space<hbm>> -> memref<120x1024xf32, #tpu.memory_space<hbm>>
    %dma_start3A_223 = arith.constant 0 : i32
    %dma_start3A_224 = arith.constant 0 : i32
    %dma_start3A_225 = tpu.memref_slice %arg3[%dma_start3A_213, %dma_start3A_223, %dma_start3A_224] : memref<4x8192x1024xf32, #tpu.memory_space<hbm>> -> memref<1x8192x1024xf32, #tpu.memory_space<hbm>>
    %dma_start3A_226 = tpu.memref_squeeze %dma_start3A_225 : memref<1x8192x1024xf32, #tpu.memory_space<hbm>> -> memref<8192x1024xf32, #tpu.memory_space<hbm>>
    %dma_start3A_227 = arith.constant 0 : i32
    %dma_start3A_228 = tpu.memref_slice %dma_start3A_226[%add3A_206, %dma_start3A_227] : memref<8192x1024xf32, #tpu.memory_space<hbm>> -> memref<120x1024xf32, #tpu.memory_space<hbm>>
    %dma_start3A_229 = arith.constant 0 : i32
    %dma_start3A_230 = arith.constant 0 : i32
    %dma_start3A_231 = tpu.memref_slice %arg4[%dma_start3A_229, %dma_start3A_230] : memref<120x1024xf32, #tpu.memory_space<vmem>> -> memref<120x1024xf32, #tpu.memory_space<vmem>>
    tpu.enqueue_dma source(%dma_start3A_231 : memref<120x1024xf32, #tpu.memory_space<vmem>>) target(%dma_start3A_228 : memref<120x1024xf32, #tpu.memory_space<hbm>>) target_semaphore(%arg6 : memref<!tpu.dma_semaphore, #tpu.memory_space<semaphore_mem>>)
    %dma_start3A_232 = arith.constant 1 : i32
    %dma_start3A_233 = arith.constant 0 : i32
    %dma_start3A_234 = arith.constant 0 : i32
    %dma_start3A_235 = tpu.memref_slice %arg4[%dma_start3A_233, %dma_start3A_234] : memref<120x1024xf32, #tpu.memory_space<vmem>> -> memref<120x1024xf32, #tpu.memory_space<vmem>>
    %dma_start3A_236 = arith.constant 0 : i32
    %dma_start3A_237 = arith.constant 0 : i32
    %dma_start3A_238 = tpu.memref_slice %arg3[%dma_start3A_232, %dma_start3A_236, %dma_start3A_237] : memref<4x8192x1024xf32, #tpu.memory_space<hbm>> -> memref<1x8192x1024xf32, #tpu.memory_space<hbm>>
    %dma_start3A_239 = tpu.memref_squeeze %dma_start3A_238 : memref<1x8192x1024xf32, #tpu.memory_space<hbm>> -> memref<8192x1024xf32, #tpu.memory_space<hbm>>
    %dma_start3A_240 = arith.constant 0 : i32
    %dma_start3A_241 = tpu.memref_slice %dma_start3A_239[%add3A_208, %dma_start3A_240] : memref<8192x1024xf32, #tpu.memory_space<hbm>> -> memref<120x1024xf32, #tpu.memory_space<hbm>>
    %dma_start3A_242 = arith.constant 0 : i32
    %dma_start3A_243 = arith.constant 0 : i32
    %dma_start3A_244 = tpu.memref_slice %arg3[%dma_start3A_232, %dma_start3A_242, %dma_start3A_243] : memref<4x8192x1024xf32, #tpu.memory_space<hbm>> -> memref<1x8192x1024xf32, #tpu.memory_space<hbm>>
    %dma_start3A_245 = tpu.memref_squeeze %dma_start3A_244 : memref<1x8192x1024xf32, #tpu.memory_space<hbm>> -> memref<8192x1024xf32, #tpu.memory_space<hbm>>
    %dma_start3A_246 = arith.constant 0 : i32
    %dma_start3A_247 = tpu.memref_slice %dma_start3A_245[%add3A_208, %dma_start3A_246] : memref<8192x1024xf32, #tpu.memory_space<hbm>> -> memref<120x1024xf32, #tpu.memory_space<hbm>>
    %dma_start3A_248 = arith.constant 0 : i32
    %dma_start3A_249 = arith.constant 0 : i32
    %dma_start3A_250 = tpu.memref_slice %arg4[%dma_start3A_248, %dma_start3A_249] : memref<120x1024xf32, #tpu.memory_space<vmem>> -> memref<120x1024xf32, #tpu.memory_space<vmem>>
    tpu.enqueue_dma source(%dma_start3A_250 : memref<120x1024xf32, #tpu.memory_space<vmem>>) target(%dma_start3A_247 : memref<120x1024xf32, #tpu.memory_space<hbm>>) target_semaphore(%arg6 : memref<!tpu.dma_semaphore, #tpu.memory_space<semaphore_mem>>)
    %dma_start3A_251 = arith.constant 2 : i32
    %dma_start3A_252 = arith.constant 0 : i32
    %dma_start3A_253 = arith.constant 0 : i32
    %dma_start3A_254 = tpu.memref_slice %arg4[%dma_start3A_252, %dma_start3A_253] : memref<120x1024xf32, #tpu.memory_space<vmem>> -> memref<120x1024xf32, #tpu.memory_space<vmem>>
    %dma_start3A_255 = arith.constant 0 : i32
    %dma_start3A_256 = arith.constant 0 : i32
    %dma_start3A_257 = tpu.memref_slice %arg3[%dma_start3A_251, %dma_start3A_255, %dma_start3A_256] : memref<4x8192x1024xf32, #tpu.memory_space<hbm>> -> memref<1x8192x1024xf32, #tpu.memory_space<hbm>>
    %dma_start3A_258 = tpu.memref_squeeze %dma_start3A_257 : memref<1x8192x1024xf32, #tpu.memory_space<hbm>> -> memref<8192x1024xf32, #tpu.memory_space<hbm>>
    %dma_start3A_259 = arith.constant 0 : i32
    %dma_start3A_260 = tpu.memref_slice %dma_start3A_258[%add3A_210, %dma_start3A_259] : memref<8192x1024xf32, #tpu.memory_space<hbm>> -> memref<120x1024xf32, #tpu.memory_space<hbm>>
    %dma_start3A_261 = arith.constant 0 : i32
    %dma_start3A_262 = arith.constant 0 : i32
    %dma_start3A_263 = tpu.memref_slice %arg3[%dma_start3A_251, %dma_start3A_261, %dma_start3A_262] : memref<4x8192x1024xf32, #tpu.memory_space<hbm>> -> memref<1x8192x1024xf32, #tpu.memory_space<hbm>>
    %dma_start3A_264 = tpu.memref_squeeze %dma_start3A_263 : memref<1x8192x1024xf32, #tpu.memory_space<hbm>> -> memref<8192x1024xf32, #tpu.memory_space<hbm>>
    %dma_start3A_265 = arith.constant 0 : i32
    %dma_start3A_266 = tpu.memref_slice %dma_start3A_264[%add3A_210, %dma_start3A_265] : memref<8192x1024xf32, #tpu.memory_space<hbm>> -> memref<120x1024xf32, #tpu.memory_space<hbm>>
    %dma_start3A_267 = arith.constant 0 : i32
    %dma_start3A_268 = arith.constant 0 : i32
    %dma_start3A_269 = tpu.memref_slice %arg4[%dma_start3A_267, %dma_start3A_268] : memref<120x1024xf32, #tpu.memory_space<vmem>> -> memref<120x1024xf32, #tpu.memory_space<vmem>>
    tpu.enqueue_dma source(%dma_start3A_269 : memref<120x1024xf32, #tpu.memory_space<vmem>>) target(%dma_start3A_266 : memref<120x1024xf32, #tpu.memory_space<hbm>>) target_semaphore(%arg6 : memref<!tpu.dma_semaphore, #tpu.memory_space<semaphore_mem>>)
    %dma_start3A_270 = arith.constant 3 : i32
    %dma_start3A_271 = arith.constant 0 : i32
    %dma_start3A_272 = arith.constant 0 : i32
    %dma_start3A_273 = tpu.memref_slice %arg4[%dma_start3A_271, %dma_start3A_272] : memref<120x1024xf32, #tpu.memory_space<vmem>> -> memref<120x1024xf32, #tpu.memory_space<vmem>>
    %dma_start3A_274 = arith.constant 0 : i32
    %dma_start3A_275 = arith.constant 0 : i32
    %dma_start3A_276 = tpu.memref_slice %arg3[%dma_start3A_270, %dma_start3A_274, %dma_start3A_275] : memref<4x8192x1024xf32, #tpu.memory_space<hbm>> -> memref<1x8192x1024xf32, #tpu.memory_space<hbm>>
    %dma_start3A_277 = tpu.memref_squeeze %dma_start3A_276 : memref<1x8192x1024xf32, #tpu.memory_space<hbm>> -> memref<8192x1024xf32, #tpu.memory_space<hbm>>
    %dma_start3A_278 = arith.constant 0 : i32
    %dma_start3A_279 = tpu.memref_slice %dma_start3A_277[%add3A_212, %dma_start3A_278] : memref<8192x1024xf32, #tpu.memory_space<hbm>> -> memref<120x1024xf32, #tpu.memory_space<hbm>>
    %dma_start3A_280 = arith.constant 0 : i32
    %dma_start3A_281 = arith.constant 0 : i32
    %dma_start3A_282 = tpu.memref_slice %arg3[%dma_start3A_270, %dma_start3A_280, %dma_start3A_281] : memref<4x8192x1024xf32, #tpu.memory_space<hbm>> -> memref<1x8192x1024xf32, #tpu.memory_space<hbm>>
    %dma_start3A_283 = tpu.memref_squeeze %dma_start3A_282 : memref<1x8192x1024xf32, #tpu.memory_space<hbm>> -> memref<8192x1024xf32, #tpu.memory_space<hbm>>
    %dma_start3A_284 = arith.constant 0 : i32
    %dma_start3A_285 = tpu.memref_slice %dma_start3A_283[%add3A_212, %dma_start3A_284] : memref<8192x1024xf32, #tpu.memory_space<hbm>> -> memref<120x1024xf32, #tpu.memory_space<hbm>>
    %dma_start3A_286 = arith.constant 0 : i32
    %dma_start3A_287 = arith.constant 0 : i32
    %dma_start3A_288 = tpu.memref_slice %arg4[%dma_start3A_286, %dma_start3A_287] : memref<120x1024xf32, #tpu.memory_space<vmem>> -> memref<120x1024xf32, #tpu.memory_space<vmem>>
    tpu.enqueue_dma source(%dma_start3A_288 : memref<120x1024xf32, #tpu.memory_space<vmem>>) target(%dma_start3A_285 : memref<120x1024xf32, #tpu.memory_space<hbm>>) target_semaphore(%arg6 : memref<!tpu.dma_semaphore, #tpu.memory_space<semaphore_mem>>)
    %dma_wait3A_289 = arith.constant 0 : i32
    %dma_wait3A_290 = arith.constant 0 : i32
    %dma_wait3A_291 = arith.constant 0 : i32
    %dma_wait3A_292 = tpu.memref_slice %arg4[%dma_wait3A_290, %dma_wait3A_291] : memref<120x1024xf32, #tpu.memory_space<vmem>> -> memref<120x1024xf32, #tpu.memory_space<vmem>>
    %dma_wait3A_293 = arith.constant 0 : i32
    %dma_wait3A_294 = arith.constant 0 : i32
    %dma_wait3A_295 = tpu.memref_slice %arg3[%dma_wait3A_289, %dma_wait3A_293, %dma_wait3A_294] : memref<4x8192x1024xf32, #tpu.memory_space<hbm>> -> memref<1x8192x1024xf32, #tpu.memory_space<hbm>>
    %dma_wait3A_296 = tpu.memref_squeeze %dma_wait3A_295 : memref<1x8192x1024xf32, #tpu.memory_space<hbm>> -> memref<8192x1024xf32, #tpu.memory_space<hbm>>
    %dma_wait3A_297 = arith.constant 0 : i32
    %dma_wait3A_298 = tpu.memref_slice %dma_wait3A_296[%add3A_206, %dma_wait3A_297] : memref<8192x1024xf32, #tpu.memory_space<hbm>> -> memref<120x1024xf32, #tpu.memory_space<hbm>>
    %dma_wait3A_299 = arith.constant 0 : i32
    %dma_wait3A_300 = arith.constant 0 : i32
    %dma_wait3A_301 = tpu.memref_slice %arg3[%dma_wait3A_289, %dma_wait3A_299, %dma_wait3A_300] : memref<4x8192x1024xf32, #tpu.memory_space<hbm>> -> memref<1x8192x1024xf32, #tpu.memory_space<hbm>>
    %dma_wait3A_302 = tpu.memref_squeeze %dma_wait3A_301 : memref<1x8192x1024xf32, #tpu.memory_space<hbm>> -> memref<8192x1024xf32, #tpu.memory_space<hbm>>
    %dma_wait3A_303 = arith.constant 0 : i32
    %dma_wait3A_304 = tpu.memref_slice %dma_wait3A_302[%add3A_206, %dma_wait3A_303] : memref<8192x1024xf32, #tpu.memory_space<hbm>> -> memref<120x1024xf32, #tpu.memory_space<hbm>>
    %dma_wait3A_305 = arith.constant 0 : i32
    %dma_wait3A_306 = arith.constant 0 : i32
    %dma_wait3A_307 = tpu.memref_slice %arg4[%dma_wait3A_305, %dma_wait3A_306] : memref<120x1024xf32, #tpu.memory_space<vmem>> -> memref<120x1024xf32, #tpu.memory_space<vmem>>
    tpu.wait_dma2 semaphore(%arg6 : memref<!tpu.dma_semaphore, #tpu.memory_space<semaphore_mem>>) src(%dma_wait3A_307 : memref<120x1024xf32, #tpu.memory_space<vmem>>) dst(%dma_wait3A_304 : memref<120x1024xf32, #tpu.memory_space<hbm>>)
    %dma_wait3A_308 = arith.constant 1 : i32
    %dma_wait3A_309 = arith.constant 0 : i32
    %dma_wait3A_310 = arith.constant 0 : i32
    %dma_wait3A_311 = tpu.memref_slice %arg4[%dma_wait3A_309, %dma_wait3A_310] : memref<120x1024xf32, #tpu.memory_space<vmem>> -> memref<120x1024xf32, #tpu.memory_space<vmem>>
    %dma_wait3A_312 = arith.constant 0 : i32
    %dma_wait3A_313 = arith.constant 0 : i32
    %dma_wait3A_314 = tpu.memref_slice %arg3[%dma_wait3A_308, %dma_wait3A_312, %dma_wait3A_313] : memref<4x8192x1024xf32, #tpu.memory_space<hbm>> -> memref<1x8192x1024xf32, #tpu.memory_space<hbm>>
    %dma_wait3A_315 = tpu.memref_squeeze %dma_wait3A_314 : memref<1x8192x1024xf32, #tpu.memory_space<hbm>> -> memref<8192x1024xf32, #tpu.memory_space<hbm>>
    %dma_wait3A_316 = arith.constant 0 : i32
    %dma_wait3A_317 = tpu.memref_slice %dma_wait3A_315[%add3A_208, %dma_wait3A_316] : memref<8192x1024xf32, #tpu.memory_space<hbm>> -> memref<120x1024xf32, #tpu.memory_space<hbm>>
    %dma_wait3A_318 = arith.constant 0 : i32
    %dma_wait3A_319 = arith.constant 0 : i32
    %dma_wait3A_320 = tpu.memref_slice %arg3[%dma_wait3A_308, %dma_wait3A_318, %dma_wait3A_319] : memref<4x8192x1024xf32, #tpu.memory_space<hbm>> -> memref<1x8192x1024xf32, #tpu.memory_space<hbm>>
    %dma_wait3A_321 = tpu.memref_squeeze %dma_wait3A_320 : memref<1x8192x1024xf32, #tpu.memory_space<hbm>> -> memref<8192x1024xf32, #tpu.memory_space<hbm>>
    %dma_wait3A_322 = arith.constant 0 : i32
    %dma_wait3A_323 = tpu.memref_slice %dma_wait3A_321[%add3A_208, %dma_wait3A_322] : memref<8192x1024xf32, #tpu.memory_space<hbm>> -> memref<120x1024xf32, #tpu.memory_space<hbm>>
    %dma_wait3A_324 = arith.constant 0 : i32
    %dma_wait3A_325 = arith.constant 0 : i32
    %dma_wait3A_326 = tpu.memref_slice %arg4[%dma_wait3A_324, %dma_wait3A_325] : memref<120x1024xf32, #tpu.memory_space<vmem>> -> memref<120x1024xf32, #tpu.memory_space<vmem>>
    tpu.wait_dma2 semaphore(%arg6 : memref<!tpu.dma_semaphore, #tpu.memory_space<semaphore_mem>>) src(%dma_wait3A_326 : memref<120x1024xf32, #tpu.memory_space<vmem>>) dst(%dma_wait3A_323 : memref<120x1024xf32, #tpu.memory_space<hbm>>)
    %dma_wait3A_327 = arith.constant 2 : i32
    %dma_wait3A_328 = arith.constant 0 : i32
    %dma_wait3A_329 = arith.constant 0 : i32
    %dma_wait3A_330 = tpu.memref_slice %arg4[%dma_wait3A_328, %dma_wait3A_329] : memref<120x1024xf32, #tpu.memory_space<vmem>> -> memref<120x1024xf32, #tpu.memory_space<vmem>>
    %dma_wait3A_331 = arith.constant 0 : i32
    %dma_wait3A_332 = arith.constant 0 : i32
    %dma_wait3A_333 = tpu.memref_slice %arg3[%dma_wait3A_327, %dma_wait3A_331, %dma_wait3A_332] : memref<4x8192x1024xf32, #tpu.memory_space<hbm>> -> memref<1x8192x1024xf32, #tpu.memory_space<hbm>>
    %dma_wait3A_334 = tpu.memref_squeeze %dma_wait3A_333 : memref<1x8192x1024xf32, #tpu.memory_space<hbm>> -> memref<8192x1024xf32, #tpu.memory_space<hbm>>
    %dma_wait3A_335 = arith.constant 0 : i32
    %dma_wait3A_336 = tpu.memref_slice %dma_wait3A_334[%add3A_210, %dma_wait3A_335] : memref<8192x1024xf32, #tpu.memory_space<hbm>> -> memref<120x1024xf32, #tpu.memory_space<hbm>>
    %dma_wait3A_337 = arith.constant 0 : i32
    %dma_wait3A_338 = arith.constant 0 : i32
    %dma_wait3A_339 = tpu.memref_slice %arg3[%dma_wait3A_327, %dma_wait3A_337, %dma_wait3A_338] : memref<4x8192x1024xf32, #tpu.memory_space<hbm>> -> memref<1x8192x1024xf32, #tpu.memory_space<hbm>>
    %dma_wait3A_340 = tpu.memref_squeeze %dma_wait3A_339 : memref<1x8192x1024xf32, #tpu.memory_space<hbm>> -> memref<8192x1024xf32, #tpu.memory_space<hbm>>
    %dma_wait3A_341 = arith.constant 0 : i32
    %dma_wait3A_342 = tpu.memref_slice %dma_wait3A_340[%add3A_210, %dma_wait3A_341] : memref<8192x1024xf32, #tpu.memory_space<hbm>> -> memref<120x1024xf32, #tpu.memory_space<hbm>>
    %dma_wait3A_343 = arith.constant 0 : i32
    %dma_wait3A_344 = arith.constant 0 : i32
    %dma_wait3A_345 = tpu.memref_slice %arg4[%dma_wait3A_343, %dma_wait3A_344] : memref<120x1024xf32, #tpu.memory_space<vmem>> -> memref<120x1024xf32, #tpu.memory_space<vmem>>
    tpu.wait_dma2 semaphore(%arg6 : memref<!tpu.dma_semaphore, #tpu.memory_space<semaphore_mem>>) src(%dma_wait3A_345 : memref<120x1024xf32, #tpu.memory_space<vmem>>) dst(%dma_wait3A_342 : memref<120x1024xf32, #tpu.memory_space<hbm>>)
    %dma_wait3A_346 = arith.constant 3 : i32
    %dma_wait3A_347 = arith.constant 0 : i32
    %dma_wait3A_348 = arith.constant 0 : i32
    %dma_wait3A_349 = tpu.memref_slice %arg4[%dma_wait3A_347, %dma_wait3A_348] : memref<120x1024xf32, #tpu.memory_space<vmem>> -> memref<120x1024xf32, #tpu.memory_space<vmem>>
    %dma_wait3A_350 = arith.constant 0 : i32
    %dma_wait3A_351 = arith.constant 0 : i32
    %dma_wait3A_352 = tpu.memref_slice %arg3[%dma_wait3A_346, %dma_wait3A_350, %dma_wait3A_351] : memref<4x8192x1024xf32, #tpu.memory_space<hbm>> -> memref<1x8192x1024xf32, #tpu.memory_space<hbm>>
    %dma_wait3A_353 = tpu.memref_squeeze %dma_wait3A_352 : memref<1x8192x1024xf32, #tpu.memory_space<hbm>> -> memref<8192x1024xf32, #tpu.memory_space<hbm>>
    %dma_wait3A_354 = arith.constant 0 : i32
    %dma_wait3A_355 = tpu.memref_slice %dma_wait3A_353[%add3A_212, %dma_wait3A_354] : memref<8192x1024xf32, #tpu.memory_space<hbm>> -> memref<120x1024xf32, #tpu.memory_space<hbm>>
    %dma_wait3A_356 = arith.constant 0 : i32
    %dma_wait3A_357 = arith.constant 0 : i32
    %dma_wait3A_358 = tpu.memref_slice %arg3[%dma_wait3A_346, %dma_wait3A_356, %dma_wait3A_357] : memref<4x8192x1024xf32, #tpu.memory_space<hbm>> -> memref<1x8192x1024xf32, #tpu.memory_space<hbm>>
    %dma_wait3A_359 = tpu.memref_squeeze %dma_wait3A_358 : memref<1x8192x1024xf32, #tpu.memory_space<hbm>> -> memref<8192x1024xf32, #tpu.memory_space<hbm>>
    %dma_wait3A_360 = arith.constant 0 : i32
    %dma_wait3A_361 = tpu.memref_slice %dma_wait3A_359[%add3A_212, %dma_wait3A_360] : memref<8192x1024xf32, #tpu.memory_space<hbm>> -> memref<120x1024xf32, #tpu.memory_space<hbm>>
    %dma_wait3A_362 = arith.constant 0 : i32
    %dma_wait3A_363 = arith.constant 0 : i32
    %dma_wait3A_364 = tpu.memref_slice %arg4[%dma_wait3A_362, %dma_wait3A_363] : memref<120x1024xf32, #tpu.memory_space<vmem>> -> memref<120x1024xf32, #tpu.memory_space<vmem>>
    tpu.wait_dma2 semaphore(%arg6 : memref<!tpu.dma_semaphore, #tpu.memory_space<semaphore_mem>>) src(%dma_wait3A_364 : memref<120x1024xf32, #tpu.memory_space<vmem>>) dst(%dma_wait3A_361 : memref<120x1024xf32, #tpu.memory_space<hbm>>)
    %add3A_365 = arith.constant 136 : i32
    %add3A_366 = arith.addi %mul3A_2, %add3A_365 : i32
    %dma_start3A_367 = arith.constant 0 : i32
    %dma_start3A_368 = arith.constant 0 : i32
    %dma_start3A_369 = tpu.memref_slice %arg4[%dma_start3A_367, %dma_start3A_368] : memref<120x1024xf32, #tpu.memory_space<vmem>> -> memref<120x1024xf32, #tpu.memory_space<vmem>>
    %dma_start3A_370 = arith.constant 0 : i32
    %dma_start3A_371 = tpu.memref_slice %arg2[%add3A_366, %dma_start3A_370] : memref<16384x1024xf32, #tpu.memory_space<hbm>> -> memref<120x1024xf32, #tpu.memory_space<hbm>>
    %dma_start3A_372 = arith.constant 0 : i32
    %dma_start3A_373 = arith.constant 0 : i32
    %dma_start3A_374 = tpu.memref_slice %arg4[%dma_start3A_372, %dma_start3A_373] : memref<120x1024xf32, #tpu.memory_space<vmem>> -> memref<120x1024xf32, #tpu.memory_space<vmem>>
    %dma_start3A_375 = arith.constant 0 : i32
    %dma_start3A_376 = tpu.memref_slice %arg2[%add3A_366, %dma_start3A_375] : memref<16384x1024xf32, #tpu.memory_space<hbm>> -> memref<120x1024xf32, #tpu.memory_space<hbm>>
    tpu.enqueue_dma source(%dma_start3A_376 : memref<120x1024xf32, #tpu.memory_space<hbm>>) target(%dma_start3A_374 : memref<120x1024xf32, #tpu.memory_space<vmem>>) target_semaphore(%arg5 : memref<!tpu.dma_semaphore, #tpu.memory_space<semaphore_mem>>)
    %dma_wait3A_377 = arith.constant 0 : i32
    %dma_wait3A_378 = arith.constant 0 : i32
    %dma_wait3A_379 = tpu.memref_slice %arg4[%dma_wait3A_377, %dma_wait3A_378] : memref<120x1024xf32, #tpu.memory_space<vmem>> -> memref<120x1024xf32, #tpu.memory_space<vmem>>
    %dma_wait3A_380 = arith.constant 0 : i32
    %dma_wait3A_381 = tpu.memref_slice %arg2[%add3A_366, %dma_wait3A_380] : memref<16384x1024xf32, #tpu.memory_space<hbm>> -> memref<120x1024xf32, #tpu.memory_space<hbm>>
    %dma_wait3A_382 = arith.constant 0 : i32
    %dma_wait3A_383 = arith.constant 0 : i32
    %dma_wait3A_384 = tpu.memref_slice %arg4[%dma_wait3A_382, %dma_wait3A_383] : memref<120x1024xf32, #tpu.memory_space<vmem>> -> memref<120x1024xf32, #tpu.memory_space<vmem>>
    %dma_wait3A_385 = arith.constant 0 : i32
    %dma_wait3A_386 = tpu.memref_slice %arg2[%add3A_366, %dma_wait3A_385] : memref<16384x1024xf32, #tpu.memory_space<hbm>> -> memref<120x1024xf32, #tpu.memory_space<hbm>>
    tpu.wait_dma2 semaphore(%arg5 : memref<!tpu.dma_semaphore, #tpu.memory_space<semaphore_mem>>) src(%dma_wait3A_386 : memref<120x1024xf32, #tpu.memory_space<hbm>>) dst(%dma_wait3A_384 : memref<120x1024xf32, #tpu.memory_space<vmem>>)
    %add3A_387 = arith.constant 136 : i32
    %add3A_388 = arith.addi %mul3A_2, %add3A_387 : i32
    %add3A_389 = arith.constant 136 : i32
    %add3A_390 = arith.addi %mul3A_2, %add3A_389 : i32
    %add3A_391 = arith.constant 136 : i32
    %add3A_392 = arith.addi %mul3A_2, %add3A_391 : i32
    %add3A_393 = arith.constant 136 : i32
    %add3A_394 = arith.addi %mul3A_2, %add3A_393 : i32
    %dma_start3A_395 = arith.constant 0 : i32
    %dma_start3A_396 = arith.constant 0 : i32
    %dma_start3A_397 = arith.constant 0 : i32
    %dma_start3A_398 = tpu.memref_slice %arg4[%dma_start3A_396, %dma_start3A_397] : memref<120x1024xf32, #tpu.memory_space<vmem>> -> memref<120x1024xf32, #tpu.memory_space<vmem>>
    %dma_start3A_399 = arith.constant 0 : i32
    %dma_start3A_400 = arith.constant 0 : i32
    %dma_start3A_401 = tpu.memref_slice %arg3[%dma_start3A_395, %dma_start3A_399, %dma_start3A_400] : memref<4x8192x1024xf32, #tpu.memory_space<hbm>> -> memref<1x8192x1024xf32, #tpu.memory_space<hbm>>
    %dma_start3A_402 = tpu.memref_squeeze %dma_start3A_401 : memref<1x8192x1024xf32, #tpu.memory_space<hbm>> -> memref<8192x1024xf32, #tpu.memory_space<hbm>>
    %dma_start3A_403 = arith.constant 0 : i32
    %dma_start3A_404 = tpu.memref_slice %dma_start3A_402[%add3A_388, %dma_start3A_403] : memref<8192x1024xf32, #tpu.memory_space<hbm>> -> memref<120x1024xf32, #tpu.memory_space<hbm>>
    %dma_start3A_405 = arith.constant 0 : i32
    %dma_start3A_406 = arith.constant 0 : i32
    %dma_start3A_407 = tpu.memref_slice %arg3[%dma_start3A_395, %dma_start3A_405, %dma_start3A_406] : memref<4x8192x1024xf32, #tpu.memory_space<hbm>> -> memref<1x8192x1024xf32, #tpu.memory_space<hbm>>
    %dma_start3A_408 = tpu.memref_squeeze %dma_start3A_407 : memref<1x8192x1024xf32, #tpu.memory_space<hbm>> -> memref<8192x1024xf32, #tpu.memory_space<hbm>>
    %dma_start3A_409 = arith.constant 0 : i32
    %dma_start3A_410 = tpu.memref_slice %dma_start3A_408[%add3A_388, %dma_start3A_409] : memref<8192x1024xf32, #tpu.memory_space<hbm>> -> memref<120x1024xf32, #tpu.memory_space<hbm>>
    %dma_start3A_411 = arith.constant 0 : i32
    %dma_start3A_412 = arith.constant 0 : i32
    %dma_start3A_413 = tpu.memref_slice %arg4[%dma_start3A_411, %dma_start3A_412] : memref<120x1024xf32, #tpu.memory_space<vmem>> -> memref<120x1024xf32, #tpu.memory_space<vmem>>
    tpu.enqueue_dma source(%dma_start3A_413 : memref<120x1024xf32, #tpu.memory_space<vmem>>) target(%dma_start3A_410 : memref<120x1024xf32, #tpu.memory_space<hbm>>) target_semaphore(%arg6 : memref<!tpu.dma_semaphore, #tpu.memory_space<semaphore_mem>>)
    %dma_start3A_414 = arith.constant 1 : i32
    %dma_start3A_415 = arith.constant 0 : i32
    %dma_start3A_416 = arith.constant 0 : i32
    %dma_start3A_417 = tpu.memref_slice %arg4[%dma_start3A_415, %dma_start3A_416] : memref<120x1024xf32, #tpu.memory_space<vmem>> -> memref<120x1024xf32, #tpu.memory_space<vmem>>
    %dma_start3A_418 = arith.constant 0 : i32
    %dma_start3A_419 = arith.constant 0 : i32
    %dma_start3A_420 = tpu.memref_slice %arg3[%dma_start3A_414, %dma_start3A_418, %dma_start3A_419] : memref<4x8192x1024xf32, #tpu.memory_space<hbm>> -> memref<1x8192x1024xf32, #tpu.memory_space<hbm>>
    %dma_start3A_421 = tpu.memref_squeeze %dma_start3A_420 : memref<1x8192x1024xf32, #tpu.memory_space<hbm>> -> memref<8192x1024xf32, #tpu.memory_space<hbm>>
    %dma_start3A_422 = arith.constant 0 : i32
    %dma_start3A_423 = tpu.memref_slice %dma_start3A_421[%add3A_390, %dma_start3A_422] : memref<8192x1024xf32, #tpu.memory_space<hbm>> -> memref<120x1024xf32, #tpu.memory_space<hbm>>
    %dma_start3A_424 = arith.constant 0 : i32
    %dma_start3A_425 = arith.constant 0 : i32
    %dma_start3A_426 = tpu.memref_slice %arg3[%dma_start3A_414, %dma_start3A_424, %dma_start3A_425] : memref<4x8192x1024xf32, #tpu.memory_space<hbm>> -> memref<1x8192x1024xf32, #tpu.memory_space<hbm>>
    %dma_start3A_427 = tpu.memref_squeeze %dma_start3A_426 : memref<1x8192x1024xf32, #tpu.memory_space<hbm>> -> memref<8192x1024xf32, #tpu.memory_space<hbm>>
    %dma_start3A_428 = arith.constant 0 : i32
    %dma_start3A_429 = tpu.memref_slice %dma_start3A_427[%add3A_390, %dma_start3A_428] : memref<8192x1024xf32, #tpu.memory_space<hbm>> -> memref<120x1024xf32, #tpu.memory_space<hbm>>
    %dma_start3A_430 = arith.constant 0 : i32
    %dma_start3A_431 = arith.constant 0 : i32
    %dma_start3A_432 = tpu.memref_slice %arg4[%dma_start3A_430, %dma_start3A_431] : memref<120x1024xf32, #tpu.memory_space<vmem>> -> memref<120x1024xf32, #tpu.memory_space<vmem>>
    tpu.enqueue_dma source(%dma_start3A_432 : memref<120x1024xf32, #tpu.memory_space<vmem>>) target(%dma_start3A_429 : memref<120x1024xf32, #tpu.memory_space<hbm>>) target_semaphore(%arg6 : memref<!tpu.dma_semaphore, #tpu.memory_space<semaphore_mem>>)
    %dma_start3A_433 = arith.constant 2 : i32
    %dma_start3A_434 = arith.constant 0 : i32
    %dma_start3A_435 = arith.constant 0 : i32
    %dma_start3A_436 = tpu.memref_slice %arg4[%dma_start3A_434, %dma_start3A_435] : memref<120x1024xf32, #tpu.memory_space<vmem>> -> memref<120x1024xf32, #tpu.memory_space<vmem>>
    %dma_start3A_437 = arith.constant 0 : i32
    %dma_start3A_438 = arith.constant 0 : i32
    %dma_start3A_439 = tpu.memref_slice %arg3[%dma_start3A_433, %dma_start3A_437, %dma_start3A_438] : memref<4x8192x1024xf32, #tpu.memory_space<hbm>> -> memref<1x8192x1024xf32, #tpu.memory_space<hbm>>
    %dma_start3A_440 = tpu.memref_squeeze %dma_start3A_439 : memref<1x8192x1024xf32, #tpu.memory_space<hbm>> -> memref<8192x1024xf32, #tpu.memory_space<hbm>>
    %dma_start3A_441 = arith.constant 0 : i32
    %dma_start3A_442 = tpu.memref_slice %dma_start3A_440[%add3A_392, %dma_start3A_441] : memref<8192x1024xf32, #tpu.memory_space<hbm>> -> memref<120x1024xf32, #tpu.memory_space<hbm>>
    %dma_start3A_443 = arith.constant 0 : i32
    %dma_start3A_444 = arith.constant 0 : i32
    %dma_start3A_445 = tpu.memref_slice %arg3[%dma_start3A_433, %dma_start3A_443, %dma_start3A_444] : memref<4x8192x1024xf32, #tpu.memory_space<hbm>> -> memref<1x8192x1024xf32, #tpu.memory_space<hbm>>
    %dma_start3A_446 = tpu.memref_squeeze %dma_start3A_445 : memref<1x8192x1024xf32, #tpu.memory_space<hbm>> -> memref<8192x1024xf32, #tpu.memory_space<hbm>>
    %dma_start3A_447 = arith.constant 0 : i32
    %dma_start3A_448 = tpu.memref_slice %dma_start3A_446[%add3A_392, %dma_start3A_447] : memref<8192x1024xf32, #tpu.memory_space<hbm>> -> memref<120x1024xf32, #tpu.memory_space<hbm>>
    %dma_start3A_449 = arith.constant 0 : i32
    %dma_start3A_450 = arith.constant 0 : i32
    %dma_start3A_451 = tpu.memref_slice %arg4[%dma_start3A_449, %dma_start3A_450] : memref<120x1024xf32, #tpu.memory_space<vmem>> -> memref<120x1024xf32, #tpu.memory_space<vmem>>
    tpu.enqueue_dma source(%dma_start3A_451 : memref<120x1024xf32, #tpu.memory_space<vmem>>) target(%dma_start3A_448 : memref<120x1024xf32, #tpu.memory_space<hbm>>) target_semaphore(%arg6 : memref<!tpu.dma_semaphore, #tpu.memory_space<semaphore_mem>>)
    %dma_start3A_452 = arith.constant 3 : i32
    %dma_start3A_453 = arith.constant 0 : i32
    %dma_start3A_454 = arith.constant 0 : i32
    %dma_start3A_455 = tpu.memref_slice %arg4[%dma_start3A_453, %dma_start3A_454] : memref<120x1024xf32, #tpu.memory_space<vmem>> -> memref<120x1024xf32, #tpu.memory_space<vmem>>
    %dma_start3A_456 = arith.constant 0 : i32
    %dma_start3A_457 = arith.constant 0 : i32
    %dma_start3A_458 = tpu.memref_slice %arg3[%dma_start3A_452, %dma_start3A_456, %dma_start3A_457] : memref<4x8192x1024xf32, #tpu.memory_space<hbm>> -> memref<1x8192x1024xf32, #tpu.memory_space<hbm>>
    %dma_start3A_459 = tpu.memref_squeeze %dma_start3A_458 : memref<1x8192x1024xf32, #tpu.memory_space<hbm>> -> memref<8192x1024xf32, #tpu.memory_space<hbm>>
    %dma_start3A_460 = arith.constant 0 : i32
    %dma_start3A_461 = tpu.memref_slice %dma_start3A_459[%add3A_394, %dma_start3A_460] : memref<8192x1024xf32, #tpu.memory_space<hbm>> -> memref<120x1024xf32, #tpu.memory_space<hbm>>
    %dma_start3A_462 = arith.constant 0 : i32
    %dma_start3A_463 = arith.constant 0 : i32
    %dma_start3A_464 = tpu.memref_slice %arg3[%dma_start3A_452, %dma_start3A_462, %dma_start3A_463] : memref<4x8192x1024xf32, #tpu.memory_space<hbm>> -> memref<1x8192x1024xf32, #tpu.memory_space<hbm>>
    %dma_start3A_465 = tpu.memref_squeeze %dma_start3A_464 : memref<1x8192x1024xf32, #tpu.memory_space<hbm>> -> memref<8192x1024xf32, #tpu.memory_space<hbm>>
    %dma_start3A_466 = arith.constant 0 : i32
    %dma_start3A_467 = tpu.memref_slice %dma_start3A_465[%add3A_394, %dma_start3A_466] : memref<8192x1024xf32, #tpu.memory_space<hbm>> -> memref<120x1024xf32, #tpu.memory_space<hbm>>
    %dma_start3A_468 = arith.constant 0 : i32
    %dma_start3A_469 = arith.constant 0 : i32
    %dma_start3A_470 = tpu.memref_slice %arg4[%dma_start3A_468, %dma_start3A_469] : memref<120x1024xf32, #tpu.memory_space<vmem>> -> memref<120x1024xf32, #tpu.memory_space<vmem>>
    tpu.enqueue_dma source(%dma_start3A_470 : memref<120x1024xf32, #tpu.memory_space<vmem>>) target(%dma_start3A_467 : memref<120x1024xf32, #tpu.memory_space<hbm>>) target_semaphore(%arg6 : memref<!tpu.dma_semaphore, #tpu.memory_space<semaphore_mem>>)
    %dma_wait3A_471 = arith.constant 0 : i32
    %dma_wait3A_472 = arith.constant 0 : i32
    %dma_wait3A_473 = arith.constant 0 : i32
    %dma_wait3A_474 = tpu.memref_slice %arg4[%dma_wait3A_472, %dma_wait3A_473] : memref<120x1024xf32, #tpu.memory_space<vmem>> -> memref<120x1024xf32, #tpu.memory_space<vmem>>
    %dma_wait3A_475 = arith.constant 0 : i32
    %dma_wait3A_476 = arith.constant 0 : i32
    %dma_wait3A_477 = tpu.memref_slice %arg3[%dma_wait3A_471, %dma_wait3A_475, %dma_wait3A_476] : memref<4x8192x1024xf32, #tpu.memory_space<hbm>> -> memref<1x8192x1024xf32, #tpu.memory_space<hbm>>
    %dma_wait3A_478 = tpu.memref_squeeze %dma_wait3A_477 : memref<1x8192x1024xf32, #tpu.memory_space<hbm>> -> memref<8192x1024xf32, #tpu.memory_space<hbm>>
    %dma_wait3A_479 = arith.constant 0 : i32
    %dma_wait3A_480 = tpu.memref_slice %dma_wait3A_478[%add3A_388, %dma_wait3A_479] : memref<8192x1024xf32, #tpu.memory_space<hbm>> -> memref<120x1024xf32, #tpu.memory_space<hbm>>
    %dma_wait3A_481 = arith.constant 0 : i32
    %dma_wait3A_482 = arith.constant 0 : i32
    %dma_wait3A_483 = tpu.memref_slice %arg3[%dma_wait3A_471, %dma_wait3A_481, %dma_wait3A_482] : memref<4x8192x1024xf32, #tpu.memory_space<hbm>> -> memref<1x8192x1024xf32, #tpu.memory_space<hbm>>
    %dma_wait3A_484 = tpu.memref_squeeze %dma_wait3A_483 : memref<1x8192x1024xf32, #tpu.memory_space<hbm>> -> memref<8192x1024xf32, #tpu.memory_space<hbm>>
    %dma_wait3A_485 = arith.constant 0 : i32
    %dma_wait3A_486 = tpu.memref_slice %dma_wait3A_484[%add3A_388, %dma_wait3A_485] : memref<8192x1024xf32, #tpu.memory_space<hbm>> -> memref<120x1024xf32, #tpu.memory_space<hbm>>
    %dma_wait3A_487 = arith.constant 0 : i32
    %dma_wait3A_488 = arith.constant 0 : i32
    %dma_wait3A_489 = tpu.memref_slice %arg4[%dma_wait3A_487, %dma_wait3A_488] : memref<120x1024xf32, #tpu.memory_space<vmem>> -> memref<120x1024xf32, #tpu.memory_space<vmem>>
    tpu.wait_dma2 semaphore(%arg6 : memref<!tpu.dma_semaphore, #tpu.memory_space<semaphore_mem>>) src(%dma_wait3A_489 : memref<120x1024xf32, #tpu.memory_space<vmem>>) dst(%dma_wait3A_486 : memref<120x1024xf32, #tpu.memory_space<hbm>>)
    %dma_wait3A_490 = arith.constant 1 : i32
    %dma_wait3A_491 = arith.constant 0 : i32
    %dma_wait3A_492 = arith.constant 0 : i32
    %dma_wait3A_493 = tpu.memref_slice %arg4[%dma_wait3A_491, %dma_wait3A_492] : memref<120x1024xf32, #tpu.memory_space<vmem>> -> memref<120x1024xf32, #tpu.memory_space<vmem>>
    %dma_wait3A_494 = arith.constant 0 : i32
    %dma_wait3A_495 = arith.constant 0 : i32
    %dma_wait3A_496 = tpu.memref_slice %arg3[%dma_wait3A_490, %dma_wait3A_494, %dma_wait3A_495] : memref<4x8192x1024xf32, #tpu.memory_space<hbm>> -> memref<1x8192x1024xf32, #tpu.memory_space<hbm>>
    %dma_wait3A_497 = tpu.memref_squeeze %dma_wait3A_496 : memref<1x8192x1024xf32, #tpu.memory_space<hbm>> -> memref<8192x1024xf32, #tpu.memory_space<hbm>>
    %dma_wait3A_498 = arith.constant 0 : i32
    %dma_wait3A_499 = tpu.memref_slice %dma_wait3A_497[%add3A_390, %dma_wait3A_498] : memref<8192x1024xf32, #tpu.memory_space<hbm>> -> memref<120x1024xf32, #tpu.memory_space<hbm>>
    %dma_wait3A_500 = arith.constant 0 : i32
    %dma_wait3A_501 = arith.constant 0 : i32
    %dma_wait3A_502 = tpu.memref_slice %arg3[%dma_wait3A_490, %dma_wait3A_500, %dma_wait3A_501] : memref<4x8192x1024xf32, #tpu.memory_space<hbm>> -> memref<1x8192x1024xf32, #tpu.memory_space<hbm>>
    %dma_wait3A_503 = tpu.memref_squeeze %dma_wait3A_502 : memref<1x8192x1024xf32, #tpu.memory_space<hbm>> -> memref<8192x1024xf32, #tpu.memory_space<hbm>>
    %dma_wait3A_504 = arith.constant 0 : i32
    %dma_wait3A_505 = tpu.memref_slice %dma_wait3A_503[%add3A_390, %dma_wait3A_504] : memref<8192x1024xf32, #tpu.memory_space<hbm>> -> memref<120x1024xf32, #tpu.memory_space<hbm>>
    %dma_wait3A_506 = arith.constant 0 : i32
    %dma_wait3A_507 = arith.constant 0 : i32
    %dma_wait3A_508 = tpu.memref_slice %arg4[%dma_wait3A_506, %dma_wait3A_507] : memref<120x1024xf32, #tpu.memory_space<vmem>> -> memref<120x1024xf32, #tpu.memory_space<vmem>>
    tpu.wait_dma2 semaphore(%arg6 : memref<!tpu.dma_semaphore, #tpu.memory_space<semaphore_mem>>) src(%dma_wait3A_508 : memref<120x1024xf32, #tpu.memory_space<vmem>>) dst(%dma_wait3A_505 : memref<120x1024xf32, #tpu.memory_space<hbm>>)
    %dma_wait3A_509 = arith.constant 2 : i32
    %dma_wait3A_510 = arith.constant 0 : i32
    %dma_wait3A_511 = arith.constant 0 : i32
    %dma_wait3A_512 = tpu.memref_slice %arg4[%dma_wait3A_510, %dma_wait3A_511] : memref<120x1024xf32, #tpu.memory_space<vmem>> -> memref<120x1024xf32, #tpu.memory_space<vmem>>
    %dma_wait3A_513 = arith.constant 0 : i32
    %dma_wait3A_514 = arith.constant 0 : i32
    %dma_wait3A_515 = tpu.memref_slice %arg3[%dma_wait3A_509, %dma_wait3A_513, %dma_wait3A_514] : memref<4x8192x1024xf32, #tpu.memory_space<hbm>> -> memref<1x8192x1024xf32, #tpu.memory_space<hbm>>
    %dma_wait3A_516 = tpu.memref_squeeze %dma_wait3A_515 : memref<1x8192x1024xf32, #tpu.memory_space<hbm>> -> memref<8192x1024xf32, #tpu.memory_space<hbm>>
    %dma_wait3A_517 = arith.constant 0 : i32
    %dma_wait3A_518 = tpu.memref_slice %dma_wait3A_516[%add3A_392, %dma_wait3A_517] : memref<8192x1024xf32, #tpu.memory_space<hbm>> -> memref<120x1024xf32, #tpu.memory_space<hbm>>
    %dma_wait3A_519 = arith.constant 0 : i32
    %dma_wait3A_520 = arith.constant 0 : i32
    %dma_wait3A_521 = tpu.memref_slice %arg3[%dma_wait3A_509, %dma_wait3A_519, %dma_wait3A_520] : memref<4x8192x1024xf32, #tpu.memory_space<hbm>> -> memref<1x8192x1024xf32, #tpu.memory_space<hbm>>
    %dma_wait3A_522 = tpu.memref_squeeze %dma_wait3A_521 : memref<1x8192x1024xf32, #tpu.memory_space<hbm>> -> memref<8192x1024xf32, #tpu.memory_space<hbm>>
    %dma_wait3A_523 = arith.constant 0 : i32
    %dma_wait3A_524 = tpu.memref_slice %dma_wait3A_522[%add3A_392, %dma_wait3A_523] : memref<8192x1024xf32, #tpu.memory_space<hbm>> -> memref<120x1024xf32, #tpu.memory_space<hbm>>
    %dma_wait3A_525 = arith.constant 0 : i32
    %dma_wait3A_526 = arith.constant 0 : i32
    %dma_wait3A_527 = tpu.memref_slice %arg4[%dma_wait3A_525, %dma_wait3A_526] : memref<120x1024xf32, #tpu.memory_space<vmem>> -> memref<120x1024xf32, #tpu.memory_space<vmem>>
    tpu.wait_dma2 semaphore(%arg6 : memref<!tpu.dma_semaphore, #tpu.memory_space<semaphore_mem>>) src(%dma_wait3A_527 : memref<120x1024xf32, #tpu.memory_space<vmem>>) dst(%dma_wait3A_524 : memref<120x1024xf32, #tpu.memory_space<hbm>>)
    %dma_wait3A_528 = arith.constant 3 : i32
    %dma_wait3A_529 = arith.constant 0 : i32
    %dma_wait3A_530 = arith.constant 0 : i32
    %dma_wait3A_531 = tpu.memref_slice %arg4[%dma_wait3A_529, %dma_wait3A_530] : memref<120x1024xf32, #tpu.memory_space<vmem>> -> memref<120x1024xf32, #tpu.memory_space<vmem>>
    %dma_wait3A_532 = arith.constant 0 : i32
    %dma_wait3A_533 = arith.constant 0 : i32
    %dma_wait3A_534 = tpu.memref_slice %arg3[%dma_wait3A_528, %dma_wait3A_532, %dma_wait3A_533] : memref<4x8192x1024xf32, #tpu.memory_space<hbm>> -> memref<1x8192x1024xf32, #tpu.memory_space<hbm>>
    %dma_wait3A_535 = tpu.memref_squeeze %dma_wait3A_534 : memref<1x8192x1024xf32, #tpu.memory_space<hbm>> -> memref<8192x1024xf32, #tpu.memory_space<hbm>>
    %dma_wait3A_536 = arith.constant 0 : i32
    %dma_wait3A_537 = tpu.memref_slice %dma_wait3A_535[%add3A_394, %dma_wait3A_536] : memref<8192x1024xf32, #tpu.memory_space<hbm>> -> memref<120x1024xf32, #tpu.memory_space<hbm>>
    %dma_wait3A_538 = arith.constant 0 : i32
    %dma_wait3A_539 = arith.constant 0 : i32
    %dma_wait3A_540 = tpu.memref_slice %arg3[%dma_wait3A_528, %dma_wait3A_538, %dma_wait3A_539] : memref<4x8192x1024xf32, #tpu.memory_space<hbm>> -> memref<1x8192x1024xf32, #tpu.memory_space<hbm>>
    %dma_wait3A_541 = tpu.memref_squeeze %dma_wait3A_540 : memref<1x8192x1024xf32, #tpu.memory_space<hbm>> -> memref<8192x1024xf32, #tpu.memory_space<hbm>>
    %dma_wait3A_542 = arith.constant 0 : i32
    %dma_wait3A_543 = tpu.memref_slice %dma_wait3A_541[%add3A_394, %dma_wait3A_542] : memref<8192x1024xf32, #tpu.memory_space<hbm>> -> memref<120x1024xf32, #tpu.memory_space<hbm>>
    %dma_wait3A_544 = arith.constant 0 : i32
    %dma_wait3A_545 = arith.constant 0 : i32
    %dma_wait3A_546 = tpu.memref_slice %arg4[%dma_wait3A_544, %dma_wait3A_545] : memref<120x1024xf32, #tpu.memory_space<vmem>> -> memref<120x1024xf32, #tpu.memory_space<vmem>>
    tpu.wait_dma2 semaphore(%arg6 : memref<!tpu.dma_semaphore, #tpu.memory_space<semaphore_mem>>) src(%dma_wait3A_546 : memref<120x1024xf32, #tpu.memory_space<vmem>>) dst(%dma_wait3A_543 : memref<120x1024xf32, #tpu.memory_space<hbm>>)
    return
  }
}

</mosaic_0001>

<sc_bundles>
// kernel: kernel.3.cloned.1.call-start
scs
__scs_entry_jumppad:
0x0: {  	(pc) =	sbr.rel $0x88, $3  }
0x1: {  	(tag) =	ssettag $0x0;
	lr =	simm.s32 $0x1  }
0x2: {  	[smem:$0x3FA0] =	sst lr;
	_ =	strace $0xD0000000  }
0x3: {  	_ = 	snop  }
0x4: {  	_ = 	snop  }
0x5: {  	_ = 	snop  }
0x6: {  	_ = 	snop  }
0x7: {  	_ = 	snop  }
__scs_overlays_trampoline_lowered:
0x8: {  	[smem:$0x3FAF] =	sst s0  }
0x9: {  	[smem:$0x3FB0] =	sst s1  }
0xa: {  	[smem:$0x3FB1] =	sst s2  }
0xb: {  	[smem:$0x3FB2] =	sst s3  }
0xc: {  	[smem:$0x3FB3] =	sst s4  }
0xd: {  	[smem:$0x3FB4] =	sst s5  }
0xe: {  	[smem:$0x3FB5] =	sst s6  }
0xf: {  	[smem:$0x3FB6] =	sst s7  }
0x10: {  	[smem:$0x3FB7] =	sst s8  }
0x11: {  	[smem:$0x3FB8] =	sst s9;
	s0 =	simm.s32 @!p0 $0x0  }
0x12: {  	s1 =	sld [smem:$0x3F9E];
	s0 =	simm.s32 @p0 $0x1  }
0x13: {  	[smem:$0x3FB9] =	sst s0;
	s0 =	simm.s32 @!p1 $0x0  }
0x14: {  	s2 =	sld [smem:$0x3F9D];
	s0 =	simm.s32 @p1 $0x1  }
0x15: {  	[smem:$0x3FBA] =	sst s0;
	s0 =	simm.s32 @!p2 $0x0  }
0x16: {  	s3 =	sld [smem:$0x3FDB];
	s0 =	simm.s32 @p2 $0x1  }
0x17: {  	s4 =	simm.s32 $0x1BF5;
	[smem:$0x3FBC] =	sst s0  }
0x18: {  	s0 =	sld [smem:$0x3F9F];
	_ =	swait.ge [sflag:s4], $0x0  }
0x19: {  	s7 =	sld [smem:$0x3FA0]  }
0x1a: {  	s8 =	sadd.s32 $0xFFFFE003, lr  }
0x1b: {  	s9 =	sadd.s32 $0xFFFFFEF7, lr;
	s5 =	simm.s32 $0xFFFFFFFF;
	p2 =	slt.u32 s8, $0xFFFFF086  }
0x1c: {  	p1 =	slt.u32 s9, $0xF7A;
	s5 =	simm.s32 @!p2 $0x0  }
0x1d: {  	s5 =	simm.s32 @p1 $0x1;
	p0 =	seq.s32 s7, s2  }
0x1e: {  	s7 =	smul.u32 @!p0 $0xF7A, s2;
	p2 =	seq.s32 @!p0 s5, $0x0  }
0x1f: {  	s9 =	smul.u32 $0xF7A, s1;
	s8 =	simm.s32 @!p0 $0x1BF5;
	p2 =	por !p2, p0  }
0x20: {  	[sflag:s8] =	ssyncset.s32 @!p0 $0xFFFFF086;
	s6 =	sadd.s32 @!p0 s3, s7;
	s7 =	simm.s32 @!p0 $0x108  }
0x21: {  	s3 =	sadd.s32 s3, s9;
	s6 =	sadd.s32 @!p0 $0x88, s6;
	s7 =	simm.s32 @p2 $0x1082  }
0x22: {  	[simem:s7], [sflag:s8] =	dma.local @!p0 [hbm:s6], $0xF7A  }
0x23: {  	s9 =	sor.u32 $0xD0000000, s2;
	s6 =	simm.s32 $0x108;
	_ =	swait.ge @!p0 [sflag:s8], $0x0  }
0x24: {  	s3 =	sadd.s32 $0x88, s3;
	s6 =	simm.s32 @!p1 $0x1082;
	[sflag:s4] =	ssyncset.s32 $0xFFFFF086  }
0x25: {  	[simem:s6], [sflag:s4] =	dma.local [hbm:s3], $0xF7A  }
0x26: {  	[smem:$0x3FA0] =	sst s1;
	(tag) =	ssettag s2;
	_ =	strace s9  }
0x27: {  	s1 =	sld [smem:$0x3FB0]  }
0x28: {  	s2 =	sld [smem:$0x3FB1]  }
0x29: {  	s4 =	sld [smem:$0x3FB3]  }
0x2a: {  	p0 =	seq.s32 s5, $0x0;
	s5 =	sld [smem:$0x3FB4]  }
0x2b: {  	s6 =	sld [smem:$0x3FB5]  }
0x2c: {  	s7 =	sld [smem:$0x3FB6]  }
0x2d: {  	s3 =	simm.s32 $0x108;
	s8 =	sld [smem:$0x3FB7]  }
0x2e: {  	s3 =	simm.s32 @!p0 $0x1082;
	s9 =	sld [smem:$0x3FB8]  }
0x2f: {  	lr =	sadd.s32 s0, s3;
	s0 =	sld [smem:$0x3FAF]  }
0x30: {  	s3 =	sld [smem:$0x3FB2]  }
0x31: {  	[smem:$0x3FBB] =	sst s10  }
0x32: {  	s10 =	sld [smem:$0x3FB9];
	_ =	sdelay $0x3  }
0x33: {  	p0 =	seq.s32 s10, $0x1;
	s10 =	sld [smem:$0x3FBB];
	_ =	sdelay $0x3  }
0x34: {  	[smem:$0x3FBB] =	sst s10  }
0x35: {  	s10 =	sld [smem:$0x3FBA];
	_ =	sdelay $0x3  }
0x36: {  	p1 =	seq.s32 s10, $0x1;
	s10 =	sld [smem:$0x3FBB];
	_ =	sdelay $0x3  }
0x37: {  	[smem:$0x3FBB] =	sst s10  }
0x38: {  	s10 =	sld [smem:$0x3FBC]  }
0x39: {  	_ = 	snop;
	(pc) =	sbr.ind lr, $3  }
0x3a: {  	_ = 	snop  }
0x3b: {  	_ = 	snop  }
0x3c: {  	p2 =	seq.s32 s10, $0x1;
	s10 =	sld [smem:$0x3FBB]  }
0x3d: {  	_ =	shalt  }
0x3e: {  	_ =	shalt  }
0x3f: {  	_ =	shalt  }
0x40: {  	_ =	shalt  }
0x41: {  	_ =	shalt  }
0x42: {  	_ =	shalt  }
0x43: {  	_ =	shalt  }
0x44: {  	_ =	shalt  }
0x45: {  	_ =	shalt  }
0x46: {  	_ =	shalt  }
0x47: {  	_ =	shalt  }
0x48: {  	_ =	shalt  }
0x49: {  	_ =	shalt  }
0x4a: {  	_ =	shalt  }
0x4b: {  	_ =	shalt  }
0x4c: {  	_ =	shalt  }
0x4d: {  	_ =	shalt  }
0x4e: {  	_ =	shalt  }
0x4f: {  	_ =	shalt  }
0x50: {  	_ =	shalt  }
0x51: {  	_ =	shalt  }
0x52: {  	_ =	shalt  }
0x53: {  	_ =	shalt  }
0x54: {  	_ =	shalt  }
0x55: {  	_ =	shalt  }
0x56: {  	_ =	shalt  }
0x57: {  	_ =	shalt  }
0x58: {  	_ =	shalt  }
0x59: {  	_ =	shalt  }
0x5a: {  	_ =	shalt  }
0x5b: {  	_ =	shalt  }
0x5c: {  	_ =	shalt  }
0x5d: {  	_ =	shalt  }
0x5e: {  	_ =	shalt  }
0x5f: {  	_ =	shalt  }
0x60: {  	_ =	shalt  }
0x61: {  	_ =	shalt  }
0x62: {  	_ =	shalt  }
0x63: {  	_ =	shalt  }
0x64: {  	_ =	shalt  }
0x65: {  	_ =	shalt  }
0x66: {  	_ =	shalt  }
0x67: {  	_ =	shalt  }
0x68: {  	_ =	shalt  }
0x69: {  	_ =	shalt  }
0x6a: {  	_ =	shalt  }
0x6b: {  	_ =	shalt  }
0x6c: {  	_ =	shalt  }
0x6d: {  	_ =	shalt  }
0x6e: {  	_ =	shalt  }
0x6f: {  	_ =	shalt  }
0x70: {  	_ =	shalt  }
0x71: {  	_ =	shalt  }
0x72: {  	_ =	shalt  }
0x73: {  	_ =	shalt  }
0x74: {  	_ =	shalt  }
0x75: {  	_ =	shalt  }
0x76: {  	_ =	shalt  }
0x77: {  	_ =	shalt  }
0x78: {  	_ =	shalt  }
0x79: {  	_ =	shalt  }
0x7a: {  	_ =	shalt  }
0x7b: {  	_ =	shalt  }
0x7c: {  	_ =	shalt  }
0x7d: {  	_ =	shalt  }
0x7e: {  	_ =	shalt  }
0x7f: {  	_ =	shalt  }
0x80: {  	_ =	shalt  }
0x81: {  	_ =	shalt  }
0x82: {  	_ =	shalt  }
0x83: {  	_ =	shalt  }
0x84: {  	_ =	shalt  }
0x85: {  	_ =	shalt  }
0x86: {  	_ =	shalt  }
0x87: {  	_ =	shalt  }
.Lfunc_end0:
.L_simem_size_0:
called_computation_lowered:
.L_overlay_start_0:
0x88: {  	s2 =	sld [smem:$0x3FD9]  }
0x89: {  	s3 =	sld [smem:$0x3FFE];
	_ =	sdelay $0x1  }
0x8a: {  	s1 =	srdreg.scid  }
0x8b: {  	s0 =	sand.u32 $0x1, s1  }
0x8c: {  	s18 =	sshll.u32 s0, $0xA;
	s2 =	sadd.s32 s3, s2  }
0x8d: {  	s2 =	sadd.s32 s2, s18  }
0x8e: {  	[smem:$0x3FC7] =	sst s2  }
0x8f: {  	_ = 	snop  }
0x90: {  	s2 =	sld [smem:$0x3FC9]  }
0x91: {  	s19 =	sld [smem:$0x3FD0];
	(tm) =	ssettm $0x1  }
0x92: {  	s4 =	sld [smem:$0x3FFB];
	_ =	sdelay $0x3  }
0x93: {  	_ =	strace s4  }
0x94: {  	s4 =	sld [smem:$0x3FFC];
	_ =	sdelay $0x3  }
0x95: {  	_ =	strace s4  }
0x96: {  	s4 =	sld [smem:$0x3FFD];
	_ =	sdelay $0x3  }
0x97: {  	_ =	strace s4  }
0x98: {  	_ =	strace $0x8FFFFFFF  }
0x99: {  	s20 =	sld [smem:$0x3FDB];
	_ =	sdelay $0x1  }
0x9a: {  	s5 =	simm.s32 $_scs_section_size  }
0x9b: {  	s6 =	simm.s32 $_size__tile_overlayer_lowered;
	s7 =	simm.s32 $_tile_overlayer_lowered  }
0x9c: {  	s23 =	simm.s32 $0x1BFF;
	s22 =	sshll.u32 s7, $0x1;
	s4 =	sadd.s32 s5, s20  }
0x9d: {  	s8 =	simm.s32 $0x0;
	s21 =	sshll.u32 s6, $0x1;
	s6 =	sadd.s32 s22, s4  }
0x9e: {  	[timem:s8], [sflag:s23] =	dma.local [hbm:s6], s21  }
0x9f: {  	_ =	swait.ge [sflag:s23], s21  }
0xa0: {  	s5 =	ssub.s32 $0x0, s21;
	[sflag:s23] =	ssyncset.done $0x0  }
0xa1: {  	[sflag:s23] =	ssyncadd.s32 s5;
	_ =	sdelay $0x1  }
0xa2: {  	s24 =	simm.s32 $0x1B8B  }
0xa3: {  	_ =	swait.ge [sflag:s24], $0x1  }
0xa4: {  	[sflag:s24] =	ssyncset.done $0x0  }
0xa5: {  	s25 =	simm.s32 $0x1B8E;
	[sflag:s24] =	ssyncadd.s32 $0xFFFFFFFF  }
0xa6: {  	s26 =	simm.s32 $execute0_lowered;
	[smem:$0x3FD2] =	sst s25  }
0xa7: {  	s5 =	sshll.u32 s26, $0x1;
	_ =	strace $0x80000046;
	[dreg:$0x1] =	wrdreg $0xFFFFFFFF  }
0xa8: {  	s28 =	simm.s32 $_size_execute0_lowered;
	s4 =	sadd.s32 s4, s5;
	[dreg:$0x0] =	wrdreg $0x0  }
0xa9: {  	s5 =	sshll.u32 s28, $0x1;
	[dreg:$0x2] =	wrdreg s4  }
0xaa: {  	[dreg:$0x3] =	wrdreg s5  }
0xab: {  	[dreg:$0x4] =	wrdreg $0xC0  }
0xac: {  	_ =	task [dreg:s8], $0x5FFFF  }
0xad: {  	[dreg:$0x1] =	wrdreg $0xFFFFFFFF  }
0xae: {  	[dreg:$0x0] =	wrdreg $0x60  }
0xaf: {  	[dreg:$0x2] =	wrdreg s2  }
0xb0: {  	[dreg:$0x3] =	wrdreg s19  }
0xb1: {  	[dreg:$0x4] =	wrdreg $0x9  }
0xb2: {  	_ =	task.clear_ibuf [dreg:s8], $0x5FFFF;
	_ =	strace $0x90000046  }
0xb3: {  	s29 =	simm.s32 $0x9;
	_ =	strace $0x80000048  }
0xb4: {  	_ =	swait.ge [sflag:s29], $0x1  }
0xb5: {  	[sflag:s29] =	ssyncadd.s32 $0xFFFFFFFF  }
0xb6: {  	_ =	strace $0x90000048  }
0xb7: {  	_ =	sfence  }
0xb8: {  	s30 =	sld [smem:$0x0];
	_ =	sdelay $0x2  }
0xb9: {  	s31 =	sshll.u32 s1, $0xD;
	s1 =	sshrl.u32 s1, $0x2  }
0xba: {  	s3 =	sand.u32 $0x4000, s31;
	s1 =	sadd.s32 s1, s30  }
0xbb: {  	s0 =	sor.u32 s3, s0;
	s1 =	sshll.u32 s1, $0x11  }
0xbc: {  	s0 =	sor.u32 s1, s0  }
0xbd: {  	s0 =	sadd.s32 $0x8F2B, s0  }
0xbe: {  	[sflag:s0] =	ssyncadd.remote.s32 $0x1  }
0xbf: {  	_ =	sfence.sel $0xFFFF  }
0xc0: {  	[dreg:$0x0] =	wrdreg $0xFFFFFFFF;
	(pc) =	sbr.abs _section_cstart, $3  }
0xc1: {  	[dreg:$0x1] =	wrdreg $0xFFFFFFFF  }
0xc2: {  	_ =	task.clear_ibuf [dreg:s8], $0x2FFFF;
	_ =	strace $0x9FFFFFFF  }
0xc3: {  	(tm) =	ssettm $0x7FFFFFFF  }
tec
execute0_lowered:
.L_overlay_start_1:
0x0: {  	(tag) =	ssettag $0x1  }
0x1: {  	s15 =	rddreg [dreg:$0x0]  }
0x2: {  	s16 =	rddreg [dreg:$0x1];
	s2 =	srdreg.scid  }
0x3: {  	s0 =	rddreg [dreg:$0x2];
	s1 =	stileid.u32;
	s20 =	sand.u32 $0x1, s2  }
0x4: {  	s2 =	simm.s32 $0x0;
	s3 =	sshll.u32 s1, $0x10;
	s4 =	sshll.u32 s20, $0xF  }
0x5: {  	[smem:$0x7FF] =	sst s2;
	s17 =	sor.u32 s4, s3  }
0x6: {  	_ =	strace $0x80000047;
	s4 =	simm.s32 $0x1;
	s3 =	sadd.s32 s15, s17  }
0x7: {  	[tilespmem:s2], [sflag:$0x1] =	stream.linear.gather [hbm4b:s3+s2], $0x4000, $0x38;
	[tilespmem:$0x1E000] =	vst v63  }
0x8: {  	_ =	swait.ge [sflag:s4], $0x4000  }
0x9: {  	[sflag:s4] =	ssyncset.done $0x0  }
0xa: {  	s18 =	sadd.s32 $0x100000, s16;
	s5 =	sadd.s32 s16, s17;
	[sflag:s4] =	ssyncadd.s32 $0xFFFFC000  }
0xb: {  	[hbm4b:s5+s2] =	stream.linear.scatter [tilespmem:s2], [sflag:$0x2], $0x4000, $0x38;
	[tilespmem:$0x1E000] =	vst v63  }
0xc: {  	s19 =	sadd.s32 $0x200000, s16;
	s6 =	sadd.s32 s17, s18  }
0xd: {  	[hbm4b:s6+s2] =	stream.linear.scatter [tilespmem:s2], [sflag:$0x2], $0x4000, $0x38;
	[tilespmem:$0x1E000] =	vst v63  }
0xe: {  	s21 =	sadd.s32 $0x300000, s16;
	s7 =	sadd.s32 s17, s19  }
0xf: {  	[hbm4b:s7+s2] =	stream.linear.scatter [tilespmem:s2], [sflag:$0x2], $0x4000, $0x38;
	[tilespmem:$0x1E000] =	vst v63  }
0x10: {  	s8 =	simm.s32 $0x2;
	s9 =	sadd.s32 s17, s21  }
0x11: {  	[hbm4b:s9+s2] =	stream.linear.scatter [tilespmem:s2], [sflag:$0x2], $0x4000, $0x38;
	[tilespmem:$0x1E000] =	vst v63  }
0x12: {  	_ =	swait.ge [sflag:s8], $0x4000  }
0x13: {  	[sflag:s8] =	ssyncset.done $0x0  }
0x14: {  	[sflag:s8] =	ssyncadd.s32 $0xFFFFC000  }
0x15: {  	_ =	swait.ge [sflag:s8], $0x4000  }
0x16: {  	[sflag:s8] =	ssyncset.done $0x0  }
0x17: {  	[sflag:s8] =	ssyncadd.s32 $0xFFFFC000  }
0x18: {  	_ =	swait.ge [sflag:s8], $0x4000  }
0x19: {  	[sflag:s8] =	ssyncset.done $0x0  }
0x1a: {  	[sflag:s8] =	ssyncadd.s32 $0xFFFFC000  }
0x1b: {  	_ =	swait.ge [sflag:s8], $0x4000  }
0x1c: {  	s14 =	sor.u32 $0x800, s17;
	[sflag:s8] =	ssyncset.done $0x0  }
0x1d: {  	s10 =	sadd.s32 s15, s14;
	[sflag:s8] =	ssyncadd.s32 $0xFFFFC000  }
0x1e: {  	[tilespmem:s2], [sflag:$0x1] =	stream.linear.gather [hbm4b:s10+s2], $0x1E000, $0x38;
	[tilespmem:$0x1E000] =	vst v63  }
0x1f: {  	_ =	swait.ge [sflag:s4], $0x1E000  }
0x20: {  	[sflag:s4] =	ssyncset.done $0x0  }
0x21: {  	s11 =	sadd.s32 s16, s14;
	[sflag:s4] =	ssyncadd.s32 $0xFFFE2000  }
0x22: {  	[hbm4b:s11+s2] =	stream.linear.scatter [tilespmem:s2], [sflag:$0x2], $0x1E000, $0x38;
	[tilespmem:$0x1E000] =	vst v63  }
0x23: {  	s12 =	sadd.s32 s14, s18  }
0x24: {  	[hbm4b:s12+s2] =	stream.linear.scatter [tilespmem:s2], [sflag:$0x2], $0x1E000, $0x38;
	[tilespmem:$0x1E000] =	vst v63  }
0x25: {  	s13 =	sadd.s32 s14, s19  }
0x26: {  	[hbm4b:s13+s2] =	stream.linear.scatter [tilespmem:s2], [sflag:$0x2], $0x1E000, $0x38;
	[tilespmem:$0x1E000] =	vst v63  }
0x27: {  	s14 =	sadd.s32 s14, s21  }
0x28: {  	[hbm4b:s14+s2] =	stream.linear.scatter [tilespmem:s2], [sflag:$0x2], $0x1E000, $0x38;
	[tilespmem:$0x1E000] =	vst v63  }
0x29: {  	_ =	swait.ge [sflag:s8], $0x1E000  }
0x2a: {  	[sflag:s8] =	ssyncset.done $0x0  }
0x2b: {  	[sflag:s8] =	ssyncadd.s32 $0xFFFE2000  }
0x2c: {  	_ =	swait.ge [sflag:s8], $0x1E000  }
0x2d: {  	[sflag:s8] =	ssyncset.done $0x0  }
0x2e: {  	[sflag:s8] =	ssyncadd.s32 $0xFFFE2000  }
0x2f: {  	_ =	swait.ge [sflag:s8], $0x1E000  }
0x30: {  	[sflag:s8] =	ssyncset.done $0x0  }
0x31: {  	[sflag:s8] =	ssyncadd.s32 $0xFFFE2000  }
0x32: {  	_ =	swait.ge [sflag:s8], $0x1E000  }
0x33: {  	s22 =	sor.u32 $0x4400, s17;
	[sflag:s8] =	ssyncset.done $0x0  }
0x34: {  	s15 =	sadd.s32 s15, s22;
	[sflag:s8] =	ssyncadd.s32 $0xFFFE2000  }
0x35: {  	[tilespmem:s2], [sflag:$0x1] =	stream.linear.gather [hbm4b:s15+s2], $0x1E000, $0x38;
	[tilespmem:$0x1E000] =	vst v63  }
0x36: {  	_ =	swait.ge [sflag:s4], $0x1E000  }
0x37: {  	[sflag:s4] =	ssyncset.done $0x0  }
0x38: {  	s16 =	sadd.s32 s16, s22;
	[sflag:s4] =	ssyncadd.s32 $0xFFFE2000  }
0x39: {  	[hbm4b:s16+s2] =	stream.linear.scatter [tilespmem:s2], [sflag:$0x2], $0x1E000, $0x38;
	[tilespmem:$0x1E000] =	vst v63  }
0x3a: {  	s17 =	sadd.s32 s22, s18  }
0x3b: {  	[hbm4b:s17+s2] =	stream.linear.scatter [tilespmem:s2], [sflag:$0x2], $0x1E000, $0x38;
	[tilespmem:$0x1E000] =	vst v63  }
0x3c: {  	s18 =	sadd.s32 s22, s19  }
0x3d: {  	[hbm4b:s18+s2] =	stream.linear.scatter [tilespmem:s2], [sflag:$0x2], $0x1E000, $0x38;
	[tilespmem:$0x1E000] =	vst v63  }
0x3e: {  	s19 =	sadd.s32 s22, s21  }
0x3f: {  	[hbm4b:s19+s2] =	stream.linear.scatter [tilespmem:s2], [sflag:$0x2], $0x1E000, $0x38;
	[tilespmem:$0x1E000] =	vst v63  }
0x40: {  	_ =	swait.ge [sflag:s8], $0x1E000  }
0x41: {  	s20 =	ssub.s32 $0x2, s20;
	[sflag:s8] =	ssyncset.done $0x0  }
0x42: {  	s31 =	sshrl.u32 s20, $0x1;
	[sflag:s8] =	ssyncadd.s32 $0xFFFE2000  }
0x43: {  	s20 =	ssub.s32 s20, s31;
	_ =	swait.ge [sflag:s8], $0x1E000  }
0x44: {  	s20 =	smax.u32 s20, $0x1;
	[sflag:s8] =	ssyncset.done $0x0  }
0x45: {  	p0 =	sne.s32 s20, $0x1;
	[sflag:s8] =	ssyncadd.s32 $0xFFFE2000  }
.Ltmp0:
0x46: {  	_ =	swait.ge [sflag:s8], $0x1E000;
	(pc) =	sbr.rel @!p0 .LBB2_2-.Ltmp0, $4  }
0x47: {  	[sflag:s8] =	ssyncset.done $0x0  }
0x48: {  	[sflag:s8] =	ssyncadd.s32 $0xFFFE2000  }
0x49: {  	_ =	swait.ge [sflag:s8], $0x1E000  }
0x4a: {  	s20 =	sadd.s32 $0xFFFFFFFF, s20;
	[sflag:s8] =	ssyncset.done $0x0  }
.LBB2_1:
0x4b: {  	p0 =	sne.s32 s20, $0x1;
	s20 =	sadd.s32 $0xFFFFFFFF, s20;
	[sflag:s8] =	ssyncadd.s32 $0xFFFE2000  }
0x4c: {  	[tilespmem:s2], [sflag:$0x1] =	stream.linear.gather [hbm4b:s3+s2], $0x4000, $0x38;
	[tilespmem:$0x1E000] =	vst v63  }
0x4d: {  	_ =	swait.ge [sflag:s4], $0x4000  }
0x4e: {  	[sflag:s4] =	ssyncset.done $0x0  }
0x4f: {  	[sflag:s4] =	ssyncadd.s32 $0xFFFFC000  }
0x50: {  	[hbm4b:s5+s2] =	stream.linear.scatter [tilespmem:s2], [sflag:$0x2], $0x4000, $0x38;
	[tilespmem:$0x1E000] =	vst v63  }
0x51: {  	_ = 	snop  }
0x52: {  	[hbm4b:s6+s2] =	stream.linear.scatter [tilespmem:s2], [sflag:$0x2], $0x4000, $0x38;
	[tilespmem:$0x1E000] =	vst v63  }
0x53: {  	_ = 	snop  }
0x54: {  	[hbm4b:s7+s2] =	stream.linear.scatter [tilespmem:s2], [sflag:$0x2], $0x4000, $0x38;
	[tilespmem:$0x1E000] =	vst v63  }
0x55: {  	_ = 	snop  }
0x56: {  	[hbm4b:s9+s2] =	stream.linear.scatter [tilespmem:s2], [sflag:$0x2], $0x4000, $0x38;
	[tilespmem:$0x1E000] =	vst v63  }
0x57: {  	_ =	swait.ge [sflag:s8], $0x4000  }
0x58: {  	[sflag:s8] =	ssyncset.done $0x0  }
0x59: {  	[sflag:s8] =	ssyncadd.s32 $0xFFFFC000  }
0x5a: {  	_ =	swait.ge [sflag:s8], $0x4000  }
0x5b: {  	[sflag:s8] =	ssyncset.done $0x0  }
0x5c: {  	[sflag:s8] =	ssyncadd.s32 $0xFFFFC000  }
0x5d: {  	_ =	swait.ge [sflag:s8], $0x4000  }
0x5e: {  	[sflag:s8] =	ssyncset.done $0x0  }
0x5f: {  	[sflag:s8] =	ssyncadd.s32 $0xFFFFC000  }
0x60: {  	_ =	swait.ge [sflag:s8], $0x4000  }
0x61: {  	[sflag:s8] =	ssyncset.done $0x0  }
0x62: {  	[sflag:s8] =	ssyncadd.s32 $0xFFFFC000  }
0x63: {  	[tilespmem:s2], [sflag:$0x1] =	stream.linear.gather [hbm4b:s10+s2], $0x1E000, $0x38;
	[tilespmem:$0x1E000] =	vst v63  }
0x64: {  	_ =	swait.ge [sflag:s4], $0x1E000  }
0x65: {  	[sflag:s4] =	ssyncset.done $0x0  }
0x66: {  	[sflag:s4] =	ssyncadd.s32 $0xFFFE2000  }
0x67: {  	[hbm4b:s11+s2] =	stream.linear.scatter [tilespmem:s2], [sflag:$0x2], $0x1E000, $0x38;
	[tilespmem:$0x1E000] =	vst v63  }
0x68: {  	_ = 	snop  }
0x69: {  	[hbm4b:s12+s2] =	stream.linear.scatter [tilespmem:s2], [sflag:$0x2], $0x1E000, $0x38;
	[tilespmem:$0x1E000] =	vst v63  }
0x6a: {  	_ = 	snop  }
0x6b: {  	[hbm4b:s13+s2] =	stream.linear.scatter [tilespmem:s2], [sflag:$0x2], $0x1E000, $0x38;
	[tilespmem:$0x1E000] =	vst v63  }
0x6c: {  	_ = 	snop  }
0x6d: {  	[hbm4b:s14+s2] =	stream.linear.scatter [tilespmem:s2], [sflag:$0x2], $0x1E000, $0x38;
	[tilespmem:$0x1E000] =	vst v63  }
0x6e: {  	_ =	swait.ge [sflag:s8], $0x1E000  }
0x6f: {  	[sflag:s8] =	ssyncset.done $0x0  }
0x70: {  	[sflag:s8] =	ssyncadd.s32 $0xFFFE2000  }
0x71: {  	_ =	swait.ge [sflag:s8], $0x1E000  }
0x72: {  	[sflag:s8] =	ssyncset.done $0x0  }
0x73: {  	[sflag:s8] =	ssyncadd.s32 $0xFFFE2000  }
0x74: {  	_ =	swait.ge [sflag:s8], $0x1E000  }
0x75: {  	[sflag:s8] =	ssyncset.done $0x0  }
0x76: {  	[sflag:s8] =	ssyncadd.s32 $0xFFFE2000  }
0x77: {  	_ =	swait.ge [sflag:s8], $0x1E000  }
0x78: {  	[sflag:s8] =	ssyncset.done $0x0  }
0x79: {  	[sflag:s8] =	ssyncadd.s32 $0xFFFE2000  }
0x7a: {  	[tilespmem:s2], [sflag:$0x1] =	stream.linear.gather [hbm4b:s15+s2], $0x1E000, $0x38;
	[tilespmem:$0x1E000] =	vst v63  }
0x7b: {  	_ =	swait.ge [sflag:s4], $0x1E000  }
0x7c: {  	[sflag:s4] =	ssyncset.done $0x0  }
0x7d: {  	[sflag:s4] =	ssyncadd.s32 $0xFFFE2000  }
0x7e: {  	[hbm4b:s16+s2] =	stream.linear.scatter [tilespmem:s2], [sflag:$0x2], $0x1E000, $0x38;
	[tilespmem:$0x1E000] =	vst v63  }
0x7f: {  	_ = 	snop  }
0x80: {  	[hbm4b:s17+s2] =	stream.linear.scatter [tilespmem:s2], [sflag:$0x2], $0x1E000, $0x38;
	[tilespmem:$0x1E000] =	vst v63  }
0x81: {  	_ = 	snop  }
0x82: {  	[hbm4b:s18+s2] =	stream.linear.scatter [tilespmem:s2], [sflag:$0x2], $0x1E000, $0x38;
	[tilespmem:$0x1E000] =	vst v63  }
0x83: {  	_ = 	snop  }
0x84: {  	[hbm4b:s19+s2] =	stream.linear.scatter [tilespmem:s2], [sflag:$0x2], $0x1E000, $0x38;
	[tilespmem:$0x1E000] =	vst v63  }
0x85: {  	_ =	swait.ge [sflag:s8], $0x1E000  }
0x86: {  	[sflag:s8] =	ssyncset.done $0x0  }
0x87: {  	[sflag:s8] =	ssyncadd.s32 $0xFFFE2000  }
0x88: {  	_ =	swait.ge [sflag:s8], $0x1E000  }
0x89: {  	[sflag:s8] =	ssyncset.done $0x0  }
0x8a: {  	[sflag:s8] =	ssyncadd.s32 $0xFFFE2000  }
.Ltmp1:
0x8b: {  	_ =	swait.ge [sflag:s8], $0x1E000;
	(pc) =	sbr.rel @p0 .LBB2_1-.Ltmp1, $4  }
0x8c: {  	[sflag:s8] =	ssyncset.done $0x0  }
0x8d: {  	[sflag:s8] =	ssyncadd.s32 $0xFFFE2000  }
0x8e: {  	_ =	swait.ge [sflag:s8], $0x1E000  }
0x8f: {  	[sflag:s8] =	ssyncset.done $0x0  }
.LBB2_2:
0x90: {  	[sflag:s8] =	ssyncadd.s32 $0xFFFE2000  }
0x91: {  	_ =	sfence.sel $0x180000  }
0x92: {  	[bflag:$0x0] =	sbarrier.arrive $0xFFFF  }
0x93: {  	p0 =	sne.s32 s1, $0x0;
	_ =	strace $0x90000047  }
0x94: {  	s0 =	sadd.s32 @!p0 $0x100000, s0;
	[bflag:$0x2] =	sbarrier.arrive $0xFFFF  }
0x95: {  	[sflag:s0] =	ssyncadd.tile.s32 @!p0 $0x1;
	_ =	shalt  }
.Lfunc_end2:
_tile_overlayer_lowered:
.L_overlay_start_2:
0x96: {  	(tag) =	ssettag $0x2  }
0x97: {  	s0 =	rddreg [dreg:$0x0];
	s2 =	stileid.u32  }
0x98: {  	s1 =	rddreg [dreg:$0x1];
	p0 =	sne.s32 s2, $0x0  }
0x99: {  	s3 =	rddreg [dreg:$0x2];
	[bflag:$0x3] =	sbarrier.arrive $0xFFFF;
	s2 =	simm.s32 @!p0 $0x1C03  }
0x9a: {  	[timem:s3], [sflag:s2] =	dma.local @!p0 [hbm:s0], s1  }
0x9b: {  	s0 =	simm.s32 @!p0 $0x3  }
0x9c: {  	_ =	swait.ge @!p0 [sflag:s0], s1  }
0x9d: {  	s1 =	ssub.s32 @!p0 $0x0, s1;
	[sflag:s0] =	ssyncset.done @!p0 $0x0  }
0x9e: {  	[sflag:s0] =	ssyncadd.s32 @!p0 s1  }
0x9f: {  	[bflag:$0x3] =	sbarrier.arrive $0xFFFF  }
0xa0: {  	_ =	shalt  }

</sc_bundles>
